<compile_context>
chip_gen: v7x
topology: tpu7x:2x2x1
jax: 0.10.2.dev20260603
libtpu: 0.0.44.dev20260713+nightly
codegen_flags: <defaults>
</compile_context>

<pallas_src>
import jax
import jax.numpy as jnp
from jax import lax
from jax.experimental import pallas as pl
from jax.experimental.pallas import tpu as pltpu
from jax.experimental.pallas import tpu_sc as plsc

N_NODES = 10000
N_EDGES = 10000
NNZ = 320000
DF = 128
NC = 2
NS = 16
NW = NC * NS
PPW = NNZ // NW
K = 80
NCH = PPW // K
NBUF = 2
NACC = 10240
RPT = NACC // NS
CPAD = 10240
CPT = CPAD // NS

_MESH = plsc.VectorSubcoreMesh(
    core_axis_name="c", subcore_axis_name="s", num_cores=NC, num_subcores=NS)


def _sc_pass(tbl, gidx, sidx, zrows, zcnt=None, ones_h=None):
  with_counts = zcnt is not None
  outs = (jax.ShapeDtypeStruct((NC, NACC, DF), jnp.float32),)
  if with_counts:
    outs += (jax.ShapeDtypeStruct((NC, CPAD), jnp.float32),
             jax.ShapeDtypeStruct((NC, CPAD), jnp.float32))
  scratch = [
      pltpu.VMEM((PPW,), jnp.int32),
      pltpu.VMEM((PPW,), jnp.int32),
  ] + [pltpu.VMEM((K, DF), tbl.dtype) for _ in range(NBUF)]
  if with_counts:
    scratch.append(pltpu.VMEM((K,), jnp.float32))
  scratch += [pltpu.VMEM_SHARED((NACC, DF), jnp.float32)]
  if with_counts:
    scratch += [pltpu.VMEM_SHARED((CPAD,), jnp.float32),
                pltpu.VMEM_SHARED((CPAD,), jnp.float32)]
  scratch += [pltpu.SemaphoreType.DMA for _ in range(2 * NBUF)]

  def body(*refs):
    if with_counts:
      (tbl_h, gidx_h, sidx_h, zrows_h, zcnt_h, ones_hb,
       acc_out, dcnt_out, bcnt_out, gidx_v, sidx_v) = refs[:11]
      bufs = refs[11:11 + NBUF]
      ones_v, acc_sh, dcnt_sh, bcnt_sh = refs[11 + NBUF:15 + NBUF]
      sems = refs[15 + NBUF:]
    else:
      (tbl_h, gidx_h, sidx_h, zrows_h, acc_out, gidx_v, sidx_v) = refs[:7]
      bufs = refs[7:7 + NBUF]
      acc_sh = refs[7 + NBUF]
      sems = refs[8 + NBUF:]
    gsems, ssems = sems[:NBUF], sems[NBUF:]
    cid = lax.axis_index("c")
    sid = lax.axis_index("s")
    wid = sid * NC + cid

    pltpu.sync_copy(gidx_h.at[wid], gidx_v)
    pltpu.sync_copy(sidx_h.at[wid], sidx_v)
    pltpu.sync_copy(zrows_h, bufs[0])
    for q in range(RPT // K):
      pltpu.sync_copy(bufs[0], acc_sh.at[pl.ds(sid * RPT + q * K, K)])
    if with_counts:
      pltpu.sync_copy(ones_hb, ones_v)
      pltpu.sync_copy(zcnt_h.at[pl.ds(sid * CPT, CPT)],
                      dcnt_sh.at[pl.ds(sid * CPT, CPT)])
      pltpu.sync_copy(zcnt_h.at[pl.ds(sid * CPT, CPT)],
                      bcnt_sh.at[pl.ds(sid * CPT, CPT)])
    plsc.subcore_barrier()

    def fire_gather(j, b):
      pltpu.async_copy(tbl_h.at[gidx_v.at[pl.ds(j * K, K)]], bufs[b], gsems[b])

    def wait_gather(b):
      pltpu.make_async_copy(
          tbl_h.at[gidx_v.at[pl.ds(0, K)]], bufs[b], gsems[b]).wait()

    def fire_scatter(j, b):
      pltpu.async_copy(
          bufs[b], acc_sh.at[sidx_v.at[pl.ds(j * K, K)]], ssems[b], add=True)

    def wait_scatter(b):
      pltpu.make_async_copy(
          bufs[b], acc_sh.at[sidx_v.at[pl.ds(0, K)]], ssems[b]).wait()

    for b in range(NBUF):
      fire_gather(b, b)

    def step(t, carry):
      j = t * NBUF
      for b in range(NBUF):
        wait_gather(b)
        fire_scatter(j + b, b)
        if with_counts:
          pltpu.sync_copy(
              ones_v, dcnt_sh.at[gidx_v.at[pl.ds((j + b) * K, K)]], add=True)
          pltpu.sync_copy(
              ones_v, bcnt_sh.at[sidx_v.at[pl.ds((j + b) * K, K)]], add=True)
      for b in range(NBUF):
        wait_scatter(b)

        @pl.when(j + b + NBUF < NCH)
        def _():
          fire_gather(j + b + NBUF, b)

      return carry

    lax.fori_loop(0, NCH // NBUF, step, 0)
    for r in range(NCH % NBUF):
      j = (NCH // NBUF) * NBUF + r
      wait_gather(r)
      fire_scatter(j, r)
      if with_counts:
        pltpu.sync_copy(
            ones_v, dcnt_sh.at[gidx_v.at[pl.ds(j * K, K)]], add=True)
        pltpu.sync_copy(
            ones_v, bcnt_sh.at[sidx_v.at[pl.ds(j * K, K)]], add=True)
    for r in range(NCH % NBUF):
      wait_scatter(r)
    plsc.subcore_barrier()
    pltpu.sync_copy(acc_sh.at[pl.ds(sid * RPT, RPT)],
                    acc_out.at[cid, pl.ds(sid * RPT, RPT)])
    if with_counts:
      pltpu.sync_copy(dcnt_sh.at[pl.ds(sid * CPT, CPT)],
                      dcnt_out.at[cid, pl.ds(sid * CPT, CPT)])
      pltpu.sync_copy(bcnt_sh.at[pl.ds(sid * CPT, CPT)],
                      bcnt_out.at[cid, pl.ds(sid * CPT, CPT)])

  fn = pl.kernel(body, out_type=outs, mesh=_MESH, scratch_types=tuple(scratch))
  if with_counts:
    return fn(tbl, gidx, sidx, zrows, zcnt, ones_h)
  return fn(tbl, gidx, sidx, zrows)


_BM = 2048
_BMF = 2000


def _tc_combine_scale(part, cnt):
  def c1(p_ref, c_ref, o_ref):
    s = p_ref[0] + p_ref[1]
    c = c_ref[0] + c_ref[1]
    cinv = jnp.where(c == 0, 0.0, 1.0 / c)
    o_ref[...] = s * cinv

  return pl.pallas_call(
      c1,
      grid=(NACC // _BM,),
      in_specs=[pl.BlockSpec((NC, _BM, DF), lambda i: (0, i, 0)),
                pl.BlockSpec((NC, _BM, 1), lambda i: (0, i, 0))],
      out_specs=pl.BlockSpec((_BM, DF), lambda i: (i, 0)),
      out_shape=jax.ShapeDtypeStruct((NACC, DF), jnp.float32),
  )(part, cnt.reshape(NC, CPAD, 1))


def _tc_finalize(part, cnt, W, b2d):
  def c2(p_ref, c_ref, w_ref, b_ref, o_ref):
    s = p_ref[0] + p_ref[1]
    c = c_ref[0] + c_ref[1]
    cinv = jnp.where(c == 0, 0.0, 1.0 / c)
    o = jnp.dot(s * cinv, w_ref[...],
                preferred_element_type=jnp.float32) + b_ref[...]
    o_ref[...] = jnp.where(o >= 0, o, 0.01 * o)

  return pl.pallas_call(
      c2,
      grid=(N_NODES // _BMF,),
      in_specs=[pl.BlockSpec((NC, _BMF, DF), lambda i: (0, i, 0)),
                pl.BlockSpec((NC, _BMF, 1), lambda i: (0, i, 0)),
                pl.BlockSpec((DF, DF), lambda i: (0, 0)),
                pl.BlockSpec((1, DF), lambda i: (0, 0))],
      out_specs=pl.BlockSpec((_BMF, DF), lambda i: (i, 0)),
      out_shape=jax.ShapeDtypeStruct((N_NODES, DF), jnp.float32),
  )(part, cnt.reshape(NC, CPAD, 1), W, b2d)


def kernel(X, A, W, b):
  nidx = A[0].astype(jnp.int32).reshape(NW, PPW)
  eidx = A[1].astype(jnp.int32).reshape(NW, PPW)
  zrows = jnp.zeros((K, DF), jnp.float32)
  zcnt = jnp.zeros((CPAD,), jnp.float32)
  ones_h = jnp.ones((K,), jnp.float32)

  hpart, dcnt, bcnt = _sc_pass(X, nidx, eidx, zrows, zcnt, ones_h)
  hedge = _tc_combine_scale(hpart, bcnt)
  opart, = _sc_pass(hedge, eidx, nidx, zrows)
  return _tc_finalize(opart, dcnt, W, b.reshape(1, DF))

# --- scband reference (transcript-rebuilt; emitter-appended) ---
"""Pipeline reference for scband-local-message-passing-network-2559800508842 (READ-ONLY COPY).

The authoritative reference and input builder live on the scoring server;
editing this copy changes nothing except your own understanding.
"""

import jax, jax.numpy as jnp
import numpy as np

N_NODES = 10000
N_HYPEREDGES = 10000
NNZ = 320000
D_FEAT = 128


def setup_inputs(seed: int = 0) -> dict:
    key = jax.random.key(seed)
    k1, k2, k3, k4 = jax.random.split(key, 4)
    X = jax.random.normal(k1, (N_NODES, D_FEAT), dtype=jnp.float32)
    A = jax.random.randint(k2, (2, NNZ), 0, N_HYPEREDGES, dtype=jnp.int64)
    # HypergraphConv params (use_attention=False -> heads=1):
    #   lin: Linear(embed_dim, embed_dim, bias=False); plus output bias.
    W = jax.random.normal(k3, (D_FEAT, D_FEAT), dtype=jnp.float32) * (1.0 / np.sqrt(D_FEAT))
    b = jnp.zeros((D_FEAT,), dtype=jnp.float32)
    return {"X": X, "A": A, "W": W, "b": b}


def reference(X, A, W, b):
    # HypergraphConv forward (PyG semantics, use_attention=False, hyperedge_weight=1)
    node_idx = A[0]
    edge_idx = A[1]
    x = X @ W  # lin(x)
    ones = jnp.ones((node_idx.shape[0],), dtype=x.dtype)
    # D[i] = sum of hyperedge weights over hyperedges containing node i
    D = jax.ops.segment_sum(ones, node_idx, num_segments=N_NODES)
    D_inv = jnp.where(D == 0, 0.0, 1.0 / D)
    # B[e] = number of nodes in hyperedge e
    B = jax.ops.segment_sum(ones, edge_idx, num_segments=N_HYPEREDGES)
    B_inv = jnp.where(B == 0, 0.0, 1.0 / B)
    # propagate 1: node -> hyperedge, message = B^{-1}[dst] * x[src]
    msg1 = B_inv[edge_idx][:, None] * x[node_idx]
    hedge = jax.ops.segment_sum(msg1, edge_idx, num_segments=N_HYPEREDGES)
    # propagate 2: hyperedge -> node, message = D^{-1}[dst] * hedge[src]
    msg2 = D_inv[node_idx][:, None] * hedge[edge_idx]
    out = jax.ops.segment_sum(msg2, node_idx, num_segments=N_NODES)
    out = out + b
    # LeakyReLU(negative_slope=0.01); dropout is identity in eval
    out = jnp.where(out >= 0, out, 0.01 * out)
    return out

if __name__ == "__main__":
    import jax
    _d = setup_inputs()
    print(jax.jit(kernel)(*tuple(_d.values())))

</pallas_src>

<mosaic_0001>
#map = affine_map<(d0, d1) -> (0, 0)>
#map1 = affine_map<(d0, d1) -> (0)>
#map2 = affine_map<(d0, d1) -> (0, 0, 0)>
module attributes {stable_mosaic.version = 14 : i64} {
  func.func @body(%arg0: i32, %arg1: i32, %arg2: memref<10000x128xf32, #tpu.memory_space<hbm>>, %arg3: memref<32x10000xi32, #tpu.memory_space<hbm>>, %arg4: memref<32x10000xi32, #tpu.memory_space<hbm>>, %arg5: memref<80x128xf32, #tpu.memory_space<hbm>>, %arg6: memref<10240xf32, #tpu.memory_space<hbm>>, %arg7: memref<80xf32, #tpu.memory_space<hbm>>, %arg8: memref<2x10240x128xf32, #tpu.memory_space<hbm>>, %arg9: memref<2x10240xf32, #tpu.memory_space<hbm>>, %arg10: memref<2x10240xf32, #tpu.memory_space<hbm>>, %arg11: memref<10000xi32, #tpu.memory_space<vmem>>, %arg12: memref<10000xi32, #tpu.memory_space<vmem>>, %arg13: memref<80x128xf32, #tpu.memory_space<vmem>>, %arg14: memref<80x128xf32, #tpu.memory_space<vmem>>, %arg15: memref<80xf32, #tpu.memory_space<vmem>>, %arg16: memref<10240x128xf32, #tpu.memory_space<vmem_shared>>, %arg17: memref<10240xf32, #tpu.memory_space<vmem_shared>>, %arg18: memref<10240xf32, #tpu.memory_space<vmem_shared>>, %arg19: memref<!tpu.dma_semaphore, #tpu.memory_space<semaphore_mem>>, %arg20: memref<!tpu.dma_semaphore, #tpu.memory_space<semaphore_mem>>, %arg21: memref<!tpu.dma_semaphore, #tpu.memory_space<semaphore_mem>>, %arg22: memref<!tpu.dma_semaphore, #tpu.memory_space<semaphore_mem>>) attributes {dimension_semantics = [#tpu.dimension_semantics<core_parallel>, #tpu.dimension_semantics<subcore_parallel>], iteration_bounds = array<i64: 2, 16>, scalar_prefetch = 0 : i64, scratch_operands = 12 : i64, tpu.core_type = #tpu.core_type<sc_vector_subcore>, window_params = [{transform_indices = #map}, {transform_indices = #map}, {transform_indices = #map}, {transform_indices = #map}, {transform_indices = #map1}, {transform_indices = #map1}, {transform_indices = #map2}, {transform_indices = #map}, {transform_indices = #map}]} {
    %mul3A = arith.constant 2 : i32
    %mul3A_0 = arith.muli %arg1, %mul3A : i32
    %add3A = arith.addi %mul3A_0, %arg0 : i32
    "tpu.region"() ({
      %run_scoped3A = tpu.sem_alloc : memref<!tpu.dma_semaphore, #tpu.memory_space<semaphore_mem>>
      %dma_start3A_82 = arith.constant 0 : i32
      %dma_start3A_83 = tpu.memref_slice %arg3[%add3A, %dma_start3A_82] : memref<32x10000xi32, #tpu.memory_space<hbm>> -> memref<1x10000xi32, #tpu.memory_space<hbm>>
      %dma_start3A_84 = tpu.memref_squeeze %dma_start3A_83 : memref<1x10000xi32, #tpu.memory_space<hbm>> -> memref<10000xi32, #tpu.memory_space<hbm>>
      %dma_start3A_85 = arith.constant 0 : i32
      %dma_start3A_86 = tpu.memref_slice %arg3[%add3A, %dma_start3A_85] : memref<32x10000xi32, #tpu.memory_space<hbm>> -> memref<1x10000xi32, #tpu.memory_space<hbm>>
      %dma_start3A_87 = tpu.memref_squeeze %dma_start3A_86 : memref<1x10000xi32, #tpu.memory_space<hbm>> -> memref<10000xi32, #tpu.memory_space<hbm>>
      tpu.enqueue_dma source(%dma_start3A_87 : memref<10000xi32, #tpu.memory_space<hbm>>) target(%arg11 : memref<10000xi32, #tpu.memory_space<vmem>>) target_semaphore(%run_scoped3A : memref<!tpu.dma_semaphore, #tpu.memory_space<semaphore_mem>>)
      %dma_wait3A_88 = arith.constant 0 : i32
      %dma_wait3A_89 = tpu.memref_slice %arg3[%add3A, %dma_wait3A_88] : memref<32x10000xi32, #tpu.memory_space<hbm>> -> memref<1x10000xi32, #tpu.memory_space<hbm>>
      %dma_wait3A_90 = tpu.memref_squeeze %dma_wait3A_89 : memref<1x10000xi32, #tpu.memory_space<hbm>> -> memref<10000xi32, #tpu.memory_space<hbm>>
      %dma_wait3A_91 = arith.constant 0 : i32
      %dma_wait3A_92 = tpu.memref_slice %arg3[%add3A, %dma_wait3A_91] : memref<32x10000xi32, #tpu.memory_space<hbm>> -> memref<1x10000xi32, #tpu.memory_space<hbm>>
      %dma_wait3A_93 = tpu.memref_squeeze %dma_wait3A_92 : memref<1x10000xi32, #tpu.memory_space<hbm>> -> memref<10000xi32, #tpu.memory_space<hbm>>
      tpu.wait_dma2 semaphore(%run_scoped3A : memref<!tpu.dma_semaphore, #tpu.memory_space<semaphore_mem>>) src(%dma_wait3A_93 : memref<10000xi32, #tpu.memory_space<hbm>>) dst(%arg11 : memref<10000xi32, #tpu.memory_space<vmem>>)
      tpu.yield
    }) : () -> ()
    "tpu.region"() ({
      %run_scoped3A = tpu.sem_alloc : memref<!tpu.dma_semaphore, #tpu.memory_space<semaphore_mem>>
      %dma_start3A_82 = arith.constant 0 : i32
      %dma_start3A_83 = tpu.memref_slice %arg4[%add3A, %dma_start3A_82] : memref<32x10000xi32, #tpu.memory_space<hbm>> -> memref<1x10000xi32, #tpu.memory_space<hbm>>
      %dma_start3A_84 = tpu.memref_squeeze %dma_start3A_83 : memref<1x10000xi32, #tpu.memory_space<hbm>> -> memref<10000xi32, #tpu.memory_space<hbm>>
      %dma_start3A_85 = arith.constant 0 : i32
      %dma_start3A_86 = tpu.memref_slice %arg4[%add3A, %dma_start3A_85] : memref<32x10000xi32, #tpu.memory_space<hbm>> -> memref<1x10000xi32, #tpu.memory_space<hbm>>
      %dma_start3A_87 = tpu.memref_squeeze %dma_start3A_86 : memref<1x10000xi32, #tpu.memory_space<hbm>> -> memref<10000xi32, #tpu.memory_space<hbm>>
      tpu.enqueue_dma source(%dma_start3A_87 : memref<10000xi32, #tpu.memory_space<hbm>>) target(%arg12 : memref<10000xi32, #tpu.memory_space<vmem>>) target_semaphore(%run_scoped3A : memref<!tpu.dma_semaphore, #tpu.memory_space<semaphore_mem>>)
      %dma_wait3A_88 = arith.constant 0 : i32
      %dma_wait3A_89 = tpu.memref_slice %arg4[%add3A, %dma_wait3A_88] : memref<32x10000xi32, #tpu.memory_space<hbm>> -> memref<1x10000xi32, #tpu.memory_space<hbm>>
      %dma_wait3A_90 = tpu.memref_squeeze %dma_wait3A_89 : memref<1x10000xi32, #tpu.memory_space<hbm>> -> memref<10000xi32, #tpu.memory_space<hbm>>
      %dma_wait3A_91 = arith.constant 0 : i32
      %dma_wait3A_92 = tpu.memref_slice %arg4[%add3A, %dma_wait3A_91] : memref<32x10000xi32, #tpu.memory_space<hbm>> -> memref<1x10000xi32, #tpu.memory_space<hbm>>
      %dma_wait3A_93 = tpu.memref_squeeze %dma_wait3A_92 : memref<1x10000xi32, #tpu.memory_space<hbm>> -> memref<10000xi32, #tpu.memory_space<hbm>>
      tpu.wait_dma2 semaphore(%run_scoped3A : memref<!tpu.dma_semaphore, #tpu.memory_space<semaphore_mem>>) src(%dma_wait3A_93 : memref<10000xi32, #tpu.memory_space<hbm>>) dst(%arg12 : memref<10000xi32, #tpu.memory_space<vmem>>)
      tpu.yield
    }) : () -> ()
    "tpu.region"() ({
      %run_scoped3A = tpu.sem_alloc : memref<!tpu.dma_semaphore, #tpu.memory_space<semaphore_mem>>
      tpu.enqueue_dma source(%arg5 : memref<80x128xf32, #tpu.memory_space<hbm>>) target(%arg13 : memref<80x128xf32, #tpu.memory_space<vmem>>) target_semaphore(%run_scoped3A : memref<!tpu.dma_semaphore, #tpu.memory_space<semaphore_mem>>)
      tpu.wait_dma2 semaphore(%run_scoped3A : memref<!tpu.dma_semaphore, #tpu.memory_space<semaphore_mem>>) src(%arg5 : memref<80x128xf32, #tpu.memory_space<hbm>>) dst(%arg13 : memref<80x128xf32, #tpu.memory_space<vmem>>)
      tpu.yield
    }) : () -> ()
    %mul3A_1 = arith.constant 640 : i32
    %mul3A_2 = arith.muli %arg1, %mul3A_1 : i32
    %add3A_3 = arith.constant 0 : i32
    %add3A_4 = arith.addi %mul3A_2, %add3A_3 : i32
    "tpu.region"() ({
      %run_scoped3A = tpu.sem_alloc : memref<!tpu.dma_semaphore, #tpu.memory_space<semaphore_mem>>
      %dma_start3A_82 = arith.constant 0 : i32
      %dma_start3A_83 = tpu.memref_slice %arg16[%add3A_4, %dma_start3A_82] : memref<10240x128xf32, #tpu.memory_space<vmem_shared>> -> memref<80x128xf32, #tpu.memory_space<vmem_shared>>
      %dma_start3A_84 = arith.constant 0 : i32
      %dma_start3A_85 = tpu.memref_slice %arg16[%add3A_4, %dma_start3A_84] : memref<10240x128xf32, #tpu.memory_space<vmem_shared>> -> memref<80x128xf32, #tpu.memory_space<vmem_shared>>
      tpu.enqueue_dma source(%arg13 : memref<80x128xf32, #tpu.memory_space<vmem>>) target(%dma_start3A_85 : memref<80x128xf32, #tpu.memory_space<vmem_shared>>) target_semaphore(%run_scoped3A : memref<!tpu.dma_semaphore, #tpu.memory_space<semaphore_mem>>)
      %dma_wait3A_86 = arith.constant 0 : i32
      %dma_wait3A_87 = tpu.memref_slice %arg16[%add3A_4, %dma_wait3A_86] : memref<10240x128xf32, #tpu.memory_space<vmem_shared>> -> memref<80x128xf32, #tpu.memory_space<vmem_shared>>
      %dma_wait3A_88 = arith.constant 0 : i32
      %dma_wait3A_89 = tpu.memref_slice %arg16[%add3A_4, %dma_wait3A_88] : memref<10240x128xf32, #tpu.memory_space<vmem_shared>> -> memref<80x128xf32, #tpu.memory_space<vmem_shared>>
      tpu.wait_dma2 semaphore(%run_scoped3A : memref<!tpu.dma_semaphore, #tpu.memory_space<semaphore_mem>>) src(%arg13 : memref<80x128xf32, #tpu.memory_space<vmem>>) dst(%dma_wait3A_89 : memref<80x128xf32, #tpu.memory_space<vmem_shared>>)
      tpu.yield
    }) : () -> ()
    %mul3A_5 = arith.constant 640 : i32
    %mul3A_6 = arith.muli %arg1, %mul3A_5 : i32
    %add3A_7 = arith.constant 80 : i32
    %add3A_8 = arith.addi %mul3A_6, %add3A_7 : i32
    "tpu.region"() ({
      %run_scoped3A = tpu.sem_alloc : memref<!tpu.dma_semaphore, #tpu.memory_space<semaphore_mem>>
      %dma_start3A_82 = arith.constant 0 : i32
      %dma_start3A_83 = tpu.memref_slice %arg16[%add3A_8, %dma_start3A_82] : memref<10240x128xf32, #tpu.memory_space<vmem_shared>> -> memref<80x128xf32, #tpu.memory_space<vmem_shared>>
      %dma_start3A_84 = arith.constant 0 : i32
      %dma_start3A_85 = tpu.memref_slice %arg16[%add3A_8, %dma_start3A_84] : memref<10240x128xf32, #tpu.memory_space<vmem_shared>> -> memref<80x128xf32, #tpu.memory_space<vmem_shared>>
      tpu.enqueue_dma source(%arg13 : memref<80x128xf32, #tpu.memory_space<vmem>>) target(%dma_start3A_85 : memref<80x128xf32, #tpu.memory_space<vmem_shared>>) target_semaphore(%run_scoped3A : memref<!tpu.dma_semaphore, #tpu.memory_space<semaphore_mem>>)
      %dma_wait3A_86 = arith.constant 0 : i32
      %dma_wait3A_87 = tpu.memref_slice %arg16[%add3A_8, %dma_wait3A_86] : memref<10240x128xf32, #tpu.memory_space<vmem_shared>> -> memref<80x128xf32, #tpu.memory_space<vmem_shared>>
      %dma_wait3A_88 = arith.constant 0 : i32
      %dma_wait3A_89 = tpu.memref_slice %arg16[%add3A_8, %dma_wait3A_88] : memref<10240x128xf32, #tpu.memory_space<vmem_shared>> -> memref<80x128xf32, #tpu.memory_space<vmem_shared>>
      tpu.wait_dma2 semaphore(%run_scoped3A : memref<!tpu.dma_semaphore, #tpu.memory_space<semaphore_mem>>) src(%arg13 : memref<80x128xf32, #tpu.memory_space<vmem>>) dst(%dma_wait3A_89 : memref<80x128xf32, #tpu.memory_space<vmem_shared>>)
      tpu.yield
    }) : () -> ()
    %mul3A_9 = arith.constant 640 : i32
    %mul3A_10 = arith.muli %arg1, %mul3A_9 : i32
    %add3A_11 = arith.constant 160 : i32
    %add3A_12 = arith.addi %mul3A_10, %add3A_11 : i32
    "tpu.region"() ({
      %run_scoped3A = tpu.sem_alloc : memref<!tpu.dma_semaphore, #tpu.memory_space<semaphore_mem>>
      %dma_start3A_82 = arith.constant 0 : i32
      %dma_start3A_83 = tpu.memref_slice %arg16[%add3A_12, %dma_start3A_82] : memref<10240x128xf32, #tpu.memory_space<vmem_shared>> -> memref<80x128xf32, #tpu.memory_space<vmem_shared>>
      %dma_start3A_84 = arith.constant 0 : i32
      %dma_start3A_85 = tpu.memref_slice %arg16[%add3A_12, %dma_start3A_84] : memref<10240x128xf32, #tpu.memory_space<vmem_shared>> -> memref<80x128xf32, #tpu.memory_space<vmem_shared>>
      tpu.enqueue_dma source(%arg13 : memref<80x128xf32, #tpu.memory_space<vmem>>) target(%dma_start3A_85 : memref<80x128xf32, #tpu.memory_space<vmem_shared>>) target_semaphore(%run_scoped3A : memref<!tpu.dma_semaphore, #tpu.memory_space<semaphore_mem>>)
      %dma_wait3A_86 = arith.constant 0 : i32
      %dma_wait3A_87 = tpu.memref_slice %arg16[%add3A_12, %dma_wait3A_86] : memref<10240x128xf32, #tpu.memory_space<vmem_shared>> -> memref<80x128xf32, #tpu.memory_space<vmem_shared>>
      %dma_wait3A_88 = arith.constant 0 : i32
      %dma_wait3A_89 = tpu.memref_slice %arg16[%add3A_12, %dma_wait3A_88] : memref<10240x128xf32, #tpu.memory_space<vmem_shared>> -> memref<80x128xf32, #tpu.memory_space<vmem_shared>>
      tpu.wait_dma2 semaphore(%run_scoped3A : memref<!tpu.dma_semaphore, #tpu.memory_space<semaphore_mem>>) src(%arg13 : memref<80x128xf32, #tpu.memory_space<vmem>>) dst(%dma_wait3A_89 : memref<80x128xf32, #tpu.memory_space<vmem_shared>>)
      tpu.yield
    }) : () -> ()
    %mul3A_13 = arith.constant 640 : i32
    %mul3A_14 = arith.muli %arg1, %mul3A_13 : i32
    %add3A_15 = arith.constant 240 : i32
    %add3A_16 = arith.addi %mul3A_14, %add3A_15 : i32
    "tpu.region"() ({
      %run_scoped3A = tpu.sem_alloc : memref<!tpu.dma_semaphore, #tpu.memory_space<semaphore_mem>>
      %dma_start3A_82 = arith.constant 0 : i32
      %dma_start3A_83 = tpu.memref_slice %arg16[%add3A_16, %dma_start3A_82] : memref<10240x128xf32, #tpu.memory_space<vmem_shared>> -> memref<80x128xf32, #tpu.memory_space<vmem_shared>>
      %dma_start3A_84 = arith.constant 0 : i32
      %dma_start3A_85 = tpu.memref_slice %arg16[%add3A_16, %dma_start3A_84] : memref<10240x128xf32, #tpu.memory_space<vmem_shared>> -> memref<80x128xf32, #tpu.memory_space<vmem_shared>>
      tpu.enqueue_dma source(%arg13 : memref<80x128xf32, #tpu.memory_space<vmem>>) target(%dma_start3A_85 : memref<80x128xf32, #tpu.memory_space<vmem_shared>>) target_semaphore(%run_scoped3A : memref<!tpu.dma_semaphore, #tpu.memory_space<semaphore_mem>>)
      %dma_wait3A_86 = arith.constant 0 : i32
      %dma_wait3A_87 = tpu.memref_slice %arg16[%add3A_16, %dma_wait3A_86] : memref<10240x128xf32, #tpu.memory_space<vmem_shared>> -> memref<80x128xf32, #tpu.memory_space<vmem_shared>>
      %dma_wait3A_88 = arith.constant 0 : i32
      %dma_wait3A_89 = tpu.memref_slice %arg16[%add3A_16, %dma_wait3A_88] : memref<10240x128xf32, #tpu.memory_space<vmem_shared>> -> memref<80x128xf32, #tpu.memory_space<vmem_shared>>
      tpu.wait_dma2 semaphore(%run_scoped3A : memref<!tpu.dma_semaphore, #tpu.memory_space<semaphore_mem>>) src(%arg13 : memref<80x128xf32, #tpu.memory_space<vmem>>) dst(%dma_wait3A_89 : memref<80x128xf32, #tpu.memory_space<vmem_shared>>)
      tpu.yield
    }) : () -> ()
    %mul3A_17 = arith.constant 640 : i32
    %mul3A_18 = arith.muli %arg1, %mul3A_17 : i32
    %add3A_19 = arith.constant 320 : i32
    %add3A_20 = arith.addi %mul3A_18, %add3A_19 : i32
    "tpu.region"() ({
      %run_scoped3A = tpu.sem_alloc : memref<!tpu.dma_semaphore, #tpu.memory_space<semaphore_mem>>
      %dma_start3A_82 = arith.constant 0 : i32
      %dma_start3A_83 = tpu.memref_slice %arg16[%add3A_20, %dma_start3A_82] : memref<10240x128xf32, #tpu.memory_space<vmem_shared>> -> memref<80x128xf32, #tpu.memory_space<vmem_shared>>
      %dma_start3A_84 = arith.constant 0 : i32
      %dma_start3A_85 = tpu.memref_slice %arg16[%add3A_20, %dma_start3A_84] : memref<10240x128xf32, #tpu.memory_space<vmem_shared>> -> memref<80x128xf32, #tpu.memory_space<vmem_shared>>
      tpu.enqueue_dma source(%arg13 : memref<80x128xf32, #tpu.memory_space<vmem>>) target(%dma_start3A_85 : memref<80x128xf32, #tpu.memory_space<vmem_shared>>) target_semaphore(%run_scoped3A : memref<!tpu.dma_semaphore, #tpu.memory_space<semaphore_mem>>)
      %dma_wait3A_86 = arith.constant 0 : i32
      %dma_wait3A_87 = tpu.memref_slice %arg16[%add3A_20, %dma_wait3A_86] : memref<10240x128xf32, #tpu.memory_space<vmem_shared>> -> memref<80x128xf32, #tpu.memory_space<vmem_shared>>
      %dma_wait3A_88 = arith.constant 0 : i32
      %dma_wait3A_89 = tpu.memref_slice %arg16[%add3A_20, %dma_wait3A_88] : memref<10240x128xf32, #tpu.memory_space<vmem_shared>> -> memref<80x128xf32, #tpu.memory_space<vmem_shared>>
      tpu.wait_dma2 semaphore(%run_scoped3A : memref<!tpu.dma_semaphore, #tpu.memory_space<semaphore_mem>>) src(%arg13 : memref<80x128xf32, #tpu.memory_space<vmem>>) dst(%dma_wait3A_89 : memref<80x128xf32, #tpu.memory_space<vmem_shared>>)
      tpu.yield
    }) : () -> ()
    %mul3A_21 = arith.constant 640 : i32
    %mul3A_22 = arith.muli %arg1, %mul3A_21 : i32
    %add3A_23 = arith.constant 400 : i32
    %add3A_24 = arith.addi %mul3A_22, %add3A_23 : i32
    "tpu.region"() ({
      %run_scoped3A = tpu.sem_alloc : memref<!tpu.dma_semaphore, #tpu.memory_space<semaphore_mem>>
      %dma_start3A_82 = arith.constant 0 : i32
      %dma_start3A_83 = tpu.memref_slice %arg16[%add3A_24, %dma_start3A_82] : memref<10240x128xf32, #tpu.memory_space<vmem_shared>> -> memref<80x128xf32, #tpu.memory_space<vmem_shared>>
      %dma_start3A_84 = arith.constant 0 : i32
      %dma_start3A_85 = tpu.memref_slice %arg16[%add3A_24, %dma_start3A_84] : memref<10240x128xf32, #tpu.memory_space<vmem_shared>> -> memref<80x128xf32, #tpu.memory_space<vmem_shared>>
      tpu.enqueue_dma source(%arg13 : memref<80x128xf32, #tpu.memory_space<vmem>>) target(%dma_start3A_85 : memref<80x128xf32, #tpu.memory_space<vmem_shared>>) target_semaphore(%run_scoped3A : memref<!tpu.dma_semaphore, #tpu.memory_space<semaphore_mem>>)
      %dma_wait3A_86 = arith.constant 0 : i32
      %dma_wait3A_87 = tpu.memref_slice %arg16[%add3A_24, %dma_wait3A_86] : memref<10240x128xf32, #tpu.memory_space<vmem_shared>> -> memref<80x128xf32, #tpu.memory_space<vmem_shared>>
      %dma_wait3A_88 = arith.constant 0 : i32
      %dma_wait3A_89 = tpu.memref_slice %arg16[%add3A_24, %dma_wait3A_88] : memref<10240x128xf32, #tpu.memory_space<vmem_shared>> -> memref<80x128xf32, #tpu.memory_space<vmem_shared>>
      tpu.wait_dma2 semaphore(%run_scoped3A : memref<!tpu.dma_semaphore, #tpu.memory_space<semaphore_mem>>) src(%arg13 : memref<80x128xf32, #tpu.memory_space<vmem>>) dst(%dma_wait3A_89 : memref<80x128xf32, #tpu.memory_space<vmem_shared>>)
      tpu.yield
    }) : () -> ()
    %mul3A_25 = arith.constant 640 : i32
    %mul3A_26 = arith.muli %arg1, %mul3A_25 : i32
    %add3A_27 = arith.constant 480 : i32
    %add3A_28 = arith.addi %mul3A_26, %add3A_27 : i32
    "tpu.region"() ({
      %run_scoped3A = tpu.sem_alloc : memref<!tpu.dma_semaphore, #tpu.memory_space<semaphore_mem>>
      %dma_start3A_82 = arith.constant 0 : i32
      %dma_start3A_83 = tpu.memref_slice %arg16[%add3A_28, %dma_start3A_82] : memref<10240x128xf32, #tpu.memory_space<vmem_shared>> -> memref<80x128xf32, #tpu.memory_space<vmem_shared>>
      %dma_start3A_84 = arith.constant 0 : i32
      %dma_start3A_85 = tpu.memref_slice %arg16[%add3A_28, %dma_start3A_84] : memref<10240x128xf32, #tpu.memory_space<vmem_shared>> -> memref<80x128xf32, #tpu.memory_space<vmem_shared>>
      tpu.enqueue_dma source(%arg13 : memref<80x128xf32, #tpu.memory_space<vmem>>) target(%dma_start3A_85 : memref<80x128xf32, #tpu.memory_space<vmem_shared>>) target_semaphore(%run_scoped3A : memref<!tpu.dma_semaphore, #tpu.memory_space<semaphore_mem>>)
      %dma_wait3A_86 = arith.constant 0 : i32
      %dma_wait3A_87 = tpu.memref_slice %arg16[%add3A_28, %dma_wait3A_86] : memref<10240x128xf32, #tpu.memory_space<vmem_shared>> -> memref<80x128xf32, #tpu.memory_space<vmem_shared>>
      %dma_wait3A_88 = arith.constant 0 : i32
      %dma_wait3A_89 = tpu.memref_slice %arg16[%add3A_28, %dma_wait3A_88] : memref<10240x128xf32, #tpu.memory_space<vmem_shared>> -> memref<80x128xf32, #tpu.memory_space<vmem_shared>>
      tpu.wait_dma2 semaphore(%run_scoped3A : memref<!tpu.dma_semaphore, #tpu.memory_space<semaphore_mem>>) src(%arg13 : memref<80x128xf32, #tpu.memory_space<vmem>>) dst(%dma_wait3A_89 : memref<80x128xf32, #tpu.memory_space<vmem_shared>>)
      tpu.yield
    }) : () -> ()
    %mul3A_29 = arith.constant 640 : i32
    %mul3A_30 = arith.muli %arg1, %mul3A_29 : i32
    %add3A_31 = arith.constant 560 : i32
    %add3A_32 = arith.addi %mul3A_30, %add3A_31 : i32
    "tpu.region"() ({
      %run_scoped3A = tpu.sem_alloc : memref<!tpu.dma_semaphore, #tpu.memory_space<semaphore_mem>>
      %dma_start3A_82 = arith.constant 0 : i32
      %dma_start3A_83 = tpu.memref_slice %arg16[%add3A_32, %dma_start3A_82] : memref<10240x128xf32, #tpu.memory_space<vmem_shared>> -> memref<80x128xf32, #tpu.memory_space<vmem_shared>>
      %dma_start3A_84 = arith.constant 0 : i32
      %dma_start3A_85 = tpu.memref_slice %arg16[%add3A_32, %dma_start3A_84] : memref<10240x128xf32, #tpu.memory_space<vmem_shared>> -> memref<80x128xf32, #tpu.memory_space<vmem_shared>>
      tpu.enqueue_dma source(%arg13 : memref<80x128xf32, #tpu.memory_space<vmem>>) target(%dma_start3A_85 : memref<80x128xf32, #tpu.memory_space<vmem_shared>>) target_semaphore(%run_scoped3A : memref<!tpu.dma_semaphore, #tpu.memory_space<semaphore_mem>>)
      %dma_wait3A_86 = arith.constant 0 : i32
      %dma_wait3A_87 = tpu.memref_slice %arg16[%add3A_32, %dma_wait3A_86] : memref<10240x128xf32, #tpu.memory_space<vmem_shared>> -> memref<80x128xf32, #tpu.memory_space<vmem_shared>>
      %dma_wait3A_88 = arith.constant 0 : i32
      %dma_wait3A_89 = tpu.memref_slice %arg16[%add3A_32, %dma_wait3A_88] : memref<10240x128xf32, #tpu.memory_space<vmem_shared>> -> memref<80x128xf32, #tpu.memory_space<vmem_shared>>
      tpu.wait_dma2 semaphore(%run_scoped3A : memref<!tpu.dma_semaphore, #tpu.memory_space<semaphore_mem>>) src(%arg13 : memref<80x128xf32, #tpu.memory_space<vmem>>) dst(%dma_wait3A_89 : memref<80x128xf32, #tpu.memory_space<vmem_shared>>)
      tpu.yield
    }) : () -> ()
    "tpu.region"() ({
      %run_scoped3A = tpu.sem_alloc : memref<!tpu.dma_semaphore, #tpu.memory_space<semaphore_mem>>
      tpu.enqueue_dma source(%arg7 : memref<80xf32, #tpu.memory_space<hbm>>) target(%arg15 : memref<80xf32, #tpu.memory_space<vmem>>) target_semaphore(%run_scoped3A : memref<!tpu.dma_semaphore, #tpu.memory_space<semaphore_mem>>)
      tpu.wait_dma2 semaphore(%run_scoped3A : memref<!tpu.dma_semaphore, #tpu.memory_space<semaphore_mem>>) src(%arg7 : memref<80xf32, #tpu.memory_space<hbm>>) dst(%arg15 : memref<80xf32, #tpu.memory_space<vmem>>)
      tpu.yield
    }) : () -> ()
    %mul3A_33 = arith.constant 640 : i32
    %mul3A_34 = arith.muli %arg1, %mul3A_33 : i32
    %mul3A_35 = arith.constant 640 : i32
    %mul3A_36 = arith.muli %arg1, %mul3A_35 : i32
    "tpu.region"() ({
      %run_scoped3A = tpu.sem_alloc : memref<!tpu.dma_semaphore, #tpu.memory_space<semaphore_mem>>
      %dma_start3A_82 = tpu.memref_slice %arg17[%mul3A_36] : memref<10240xf32, #tpu.memory_space<vmem_shared>> -> memref<640xf32, #tpu.memory_space<vmem_shared>>
      %dma_start3A_83 = tpu.memref_slice %arg6[%mul3A_34] : memref<10240xf32, #tpu.memory_space<hbm>> -> memref<640xf32, #tpu.memory_space<hbm>>
      tpu.enqueue_dma source(%dma_start3A_83 : memref<640xf32, #tpu.memory_space<hbm>>) target(%dma_start3A_82 : memref<640xf32, #tpu.memory_space<vmem_shared>>) target_semaphore(%run_scoped3A : memref<!tpu.dma_semaphore, #tpu.memory_space<semaphore_mem>>)
      %dma_wait3A_84 = tpu.memref_slice %arg17[%mul3A_36] : memref<10240xf32, #tpu.memory_space<vmem_shared>> -> memref<640xf32, #tpu.memory_space<vmem_shared>>
      %dma_wait3A_85 = tpu.memref_slice %arg6[%mul3A_34] : memref<10240xf32, #tpu.memory_space<hbm>> -> memref<640xf32, #tpu.memory_space<hbm>>
      tpu.wait_dma2 semaphore(%run_scoped3A : memref<!tpu.dma_semaphore, #tpu.memory_space<semaphore_mem>>) src(%dma_wait3A_85 : memref<640xf32, #tpu.memory_space<hbm>>) dst(%dma_wait3A_84 : memref<640xf32, #tpu.memory_space<vmem_shared>>)
      tpu.yield
    }) : () -> ()
    %mul3A_37 = arith.constant 640 : i32
    %mul3A_38 = arith.muli %arg1, %mul3A_37 : i32
    %mul3A_39 = arith.constant 640 : i32
    %mul3A_40 = arith.muli %arg1, %mul3A_39 : i32
    "tpu.region"() ({
      %run_scoped3A = tpu.sem_alloc : memref<!tpu.dma_semaphore, #tpu.memory_space<semaphore_mem>>
      %dma_start3A_82 = tpu.memref_slice %arg18[%mul3A_40] : memref<10240xf32, #tpu.memory_space<vmem_shared>> -> memref<640xf32, #tpu.memory_space<vmem_shared>>
      %dma_start3A_83 = tpu.memref_slice %arg6[%mul3A_38] : memref<10240xf32, #tpu.memory_space<hbm>> -> memref<640xf32, #tpu.memory_space<hbm>>
      tpu.enqueue_dma source(%dma_start3A_83 : memref<640xf32, #tpu.memory_space<hbm>>) target(%dma_start3A_82 : memref<640xf32, #tpu.memory_space<vmem_shared>>) target_semaphore(%run_scoped3A : memref<!tpu.dma_semaphore, #tpu.memory_space<semaphore_mem>>)
      %dma_wait3A_84 = tpu.memref_slice %arg18[%mul3A_40] : memref<10240xf32, #tpu.memory_space<vmem_shared>> -> memref<640xf32, #tpu.memory_space<vmem_shared>>
      %dma_wait3A_85 = tpu.memref_slice %arg6[%mul3A_38] : memref<10240xf32, #tpu.memory_space<hbm>> -> memref<640xf32, #tpu.memory_space<hbm>>
      tpu.wait_dma2 semaphore(%run_scoped3A : memref<!tpu.dma_semaphore, #tpu.memory_space<semaphore_mem>>) src(%dma_wait3A_85 : memref<640xf32, #tpu.memory_space<hbm>>) dst(%dma_wait3A_84 : memref<640xf32, #tpu.memory_space<vmem_shared>>)
      tpu.yield
    }) : () -> ()
    %barrier3A = arith.constant 0 : index
    tpu.barrier barrier_id(%barrier3A)
    %dma_start3A = arith.constant 0 : i32
    %dma_start3A_41 = tpu.memref_slice %arg11[%dma_start3A] : memref<10000xi32, #tpu.memory_space<vmem>> -> memref<80xi32, #tpu.memory_space<vmem>>
    %dma_start3A_42 = arith.constant 0 : i32
    %dma_start3A_43 = arith.constant 0 : i32
    %dma_start3A_44 = tpu.memref_slice %arg2[%dma_start3A_42, %dma_start3A_43] : memref<10000x128xf32, #tpu.memory_space<hbm>> -> memref<10000x128xf32, #tpu.memory_space<hbm>>
    tpu.enqueue_indirect_dma source(%dma_start3A_44 : memref<10000x128xf32, #tpu.memory_space<hbm>>) target(%arg13 : memref<80x128xf32, #tpu.memory_space<vmem>>) offsets(%dma_start3A_41 : memref<80xi32, #tpu.memory_space<vmem>>) semaphore(%arg19 : memref<!tpu.dma_semaphore, #tpu.memory_space<semaphore_mem>>)
    %dma_start3A_45 = arith.constant 80 : i32
    %dma_start3A_46 = tpu.memref_slice %arg11[%dma_start3A_45] : memref<10000xi32, #tpu.memory_space<vmem>> -> memref<80xi32, #tpu.memory_space<vmem>>
    %dma_start3A_47 = arith.constant 0 : i32
    %dma_start3A_48 = arith.constant 0 : i32
    %dma_start3A_49 = tpu.memref_slice %arg2[%dma_start3A_47, %dma_start3A_48] : memref<10000x128xf32, #tpu.memory_space<hbm>> -> memref<10000x128xf32, #tpu.memory_space<hbm>>
    tpu.enqueue_indirect_dma source(%dma_start3A_49 : memref<10000x128xf32, #tpu.memory_space<hbm>>) target(%arg14 : memref<80x128xf32, #tpu.memory_space<vmem>>) offsets(%dma_start3A_46 : memref<80xi32, #tpu.memory_space<vmem>>) semaphore(%arg20 : memref<!tpu.dma_semaphore, #tpu.memory_space<semaphore_mem>>)
    %scan3A = arith.constant 0 : i32
    %scan3A_50 = arith.constant 0 : i32
    %scan3A_51 = arith.constant 62 : i32
    %scan3A_52 = arith.addi %scan3A_50, %scan3A_51 : i32
    %scan3A_53 = arith.constant 1 : i32
    scf.for %scan3A_82 = %scan3A_50 to %scan3A_52 step %scan3A_53  : i32 {
      %mul3A_83 = arith.constant 2 : i32
      %mul3A_84 = arith.muli %scan3A_82, %mul3A_83 : i32
      %dma_wait3A_85 = arith.constant 0 : i32
      %dma_wait3A_86 = tpu.memref_slice %arg11[%dma_wait3A_85] : memref<10000xi32, #tpu.memory_space<vmem>> -> memref<80xi32, #tpu.memory_space<vmem>>
      %dma_wait3A_87 = arith.constant 0 : i32
      %dma_wait3A_88 = arith.constant 0 : i32
      %dma_wait3A_89 = tpu.memref_slice %arg2[%dma_wait3A_87, %dma_wait3A_88] : memref<10000x128xf32, #tpu.memory_space<hbm>> -> memref<10000x128xf32, #tpu.memory_space<hbm>>
      tpu.wait_indirect_dma semaphore(%arg19 : memref<!tpu.dma_semaphore, #tpu.memory_space<semaphore_mem>>) src(%dma_wait3A_89 : memref<10000x128xf32, #tpu.memory_space<hbm>>) dst(%arg13 : memref<80x128xf32, #tpu.memory_space<vmem>>)
      %add3A_90 = arith.constant 0 : i32
      %add3A_91 = arith.addi %mul3A_84, %add3A_90 : i32
      %mul3A_92 = arith.constant 80 : i32
      %mul3A_93 = arith.muli %add3A_91, %mul3A_92 : i32
      %dma_start3A_94 = tpu.memref_slice %arg12[%mul3A_93] : memref<10000xi32, #tpu.memory_space<vmem>> -> memref<80xi32, #tpu.memory_space<vmem>>
      %dma_start3A_95 = arith.constant 0 : i32
      %dma_start3A_96 = arith.constant 0 : i32
      %dma_start3A_97 = tpu.memref_slice %arg16[%dma_start3A_95, %dma_start3A_96] : memref<10240x128xf32, #tpu.memory_space<vmem_shared>> -> memref<10240x128xf32, #tpu.memory_space<vmem_shared>>
      tpu.enqueue_indirect_dma source(%arg13 : memref<80x128xf32, #tpu.memory_space<vmem>>) target(%dma_start3A_97 : memref<10240x128xf32, #tpu.memory_space<vmem_shared>>) offsets(%dma_start3A_94 : memref<80xi32, #tpu.memory_space<vmem>>) semaphore(%arg21 : memref<!tpu.dma_semaphore, #tpu.memory_space<semaphore_mem>>) {add = true}
      %add3A_98 = arith.constant 0 : i32
      %add3A_99 = arith.addi %mul3A_84, %add3A_98 : i32
      %mul3A_100 = arith.constant 80 : i32
      %mul3A_101 = arith.muli %add3A_99, %mul3A_100 : i32
      "tpu.region"() ({
        %run_scoped3A = tpu.sem_alloc : memref<!tpu.dma_semaphore, #tpu.memory_space<semaphore_mem>>
        %dma_start3A_152 = tpu.memref_slice %arg11[%mul3A_101] : memref<10000xi32, #tpu.memory_space<vmem>> -> memref<80xi32, #tpu.memory_space<vmem>>
        %dma_start3A_153 = arith.constant 0 : i32
        %dma_start3A_154 = tpu.memref_slice %arg17[%dma_start3A_153] : memref<10240xf32, #tpu.memory_space<vmem_shared>> -> memref<10240xf32, #tpu.memory_space<vmem_shared>>
        tpu.enqueue_indirect_dma source(%arg15 : memref<80xf32, #tpu.memory_space<vmem>>) target(%dma_start3A_154 : memref<10240xf32, #tpu.memory_space<vmem_shared>>) offsets(%dma_start3A_152 : memref<80xi32, #tpu.memory_space<vmem>>) semaphore(%run_scoped3A : memref<!tpu.dma_semaphore, #tpu.memory_space<semaphore_mem>>) {add = true}
        %dma_wait3A_155 = tpu.memref_slice %arg11[%mul3A_101] : memref<10000xi32, #tpu.memory_space<vmem>> -> memref<80xi32, #tpu.memory_space<vmem>>
        %dma_wait3A_156 = arith.constant 0 : i32
        %dma_wait3A_157 = tpu.memref_slice %arg17[%dma_wait3A_156] : memref<10240xf32, #tpu.memory_space<vmem_shared>> -> memref<10240xf32, #tpu.memory_space<vmem_shared>>
        tpu.wait_indirect_dma semaphore(%run_scoped3A : memref<!tpu.dma_semaphore, #tpu.memory_space<semaphore_mem>>) src(%arg15 : memref<80xf32, #tpu.memory_space<vmem>>) dst(%dma_wait3A_157 : memref<10240xf32, #tpu.memory_space<vmem_shared>>)
        tpu.yield
      }) : () -> ()
      %add3A_102 = arith.constant 0 : i32
      %add3A_103 = arith.addi %mul3A_84, %add3A_102 : i32
      %mul3A_104 = arith.constant 80 : i32
      %mul3A_105 = arith.muli %add3A_103, %mul3A_104 : i32
      "tpu.region"() ({
        %run_scoped3A = tpu.sem_alloc : memref<!tpu.dma_semaphore, #tpu.memory_space<semaphore_mem>>
        %dma_start3A_152 = tpu.memref_slice %arg12[%mul3A_105] : memref<10000xi32, #tpu.memory_space<vmem>> -> memref<80xi32, #tpu.memory_space<vmem>>
        %dma_start3A_153 = arith.constant 0 : i32
        %dma_start3A_154 = tpu.memref_slice %arg18[%dma_start3A_153] : memref<10240xf32, #tpu.memory_space<vmem_shared>> -> memref<10240xf32, #tpu.memory_space<vmem_shared>>
        tpu.enqueue_indirect_dma source(%arg15 : memref<80xf32, #tpu.memory_space<vmem>>) target(%dma_start3A_154 : memref<10240xf32, #tpu.memory_space<vmem_shared>>) offsets(%dma_start3A_152 : memref<80xi32, #tpu.memory_space<vmem>>) semaphore(%run_scoped3A : memref<!tpu.dma_semaphore, #tpu.memory_space<semaphore_mem>>) {add = true}
        %dma_wait3A_155 = tpu.memref_slice %arg12[%mul3A_105] : memref<10000xi32, #tpu.memory_space<vmem>> -> memref<80xi32, #tpu.memory_space<vmem>>
        %dma_wait3A_156 = arith.constant 0 : i32
        %dma_wait3A_157 = tpu.memref_slice %arg18[%dma_wait3A_156] : memref<10240xf32, #tpu.memory_space<vmem_shared>> -> memref<10240xf32, #tpu.memory_space<vmem_shared>>
        tpu.wait_indirect_dma semaphore(%run_scoped3A : memref<!tpu.dma_semaphore, #tpu.memory_space<semaphore_mem>>) src(%arg15 : memref<80xf32, #tpu.memory_space<vmem>>) dst(%dma_wait3A_157 : memref<10240xf32, #tpu.memory_space<vmem_shared>>)
        tpu.yield
      }) : () -> ()
      %dma_wait3A_106 = arith.constant 0 : i32
      %dma_wait3A_107 = tpu.memref_slice %arg11[%dma_wait3A_106] : memref<10000xi32, #tpu.memory_space<vmem>> -> memref<80xi32, #tpu.memory_space<vmem>>
      %dma_wait3A_108 = arith.constant 0 : i32
      %dma_wait3A_109 = arith.constant 0 : i32
      %dma_wait3A_110 = tpu.memref_slice %arg2[%dma_wait3A_108, %dma_wait3A_109] : memref<10000x128xf32, #tpu.memory_space<hbm>> -> memref<10000x128xf32, #tpu.memory_space<hbm>>
      tpu.wait_indirect_dma semaphore(%arg20 : memref<!tpu.dma_semaphore, #tpu.memory_space<semaphore_mem>>) src(%dma_wait3A_110 : memref<10000x128xf32, #tpu.memory_space<hbm>>) dst(%arg14 : memref<80x128xf32, #tpu.memory_space<vmem>>)
      %add3A_111 = arith.constant 1 : i32
      %add3A_112 = arith.addi %mul3A_84, %add3A_111 : i32
      %mul3A_113 = arith.constant 80 : i32
      %mul3A_114 = arith.muli %add3A_112, %mul3A_113 : i32
      %dma_start3A_115 = tpu.memref_slice %arg12[%mul3A_114] : memref<10000xi32, #tpu.memory_space<vmem>> -> memref<80xi32, #tpu.memory_space<vmem>>
      %dma_start3A_116 = arith.constant 0 : i32
      %dma_start3A_117 = arith.constant 0 : i32
      %dma_start3A_118 = tpu.memref_slice %arg16[%dma_start3A_116, %dma_start3A_117] : memref<10240x128xf32, #tpu.memory_space<vmem_shared>> -> memref<10240x128xf32, #tpu.memory_space<vmem_shared>>
      tpu.enqueue_indirect_dma source(%arg14 : memref<80x128xf32, #tpu.memory_space<vmem>>) target(%dma_start3A_118 : memref<10240x128xf32, #tpu.memory_space<vmem_shared>>) offsets(%dma_start3A_115 : memref<80xi32, #tpu.memory_space<vmem>>) semaphore(%arg22 : memref<!tpu.dma_semaphore, #tpu.memory_space<semaphore_mem>>) {add = true}
      %add3A_119 = arith.constant 1 : i32
      %add3A_120 = arith.addi %mul3A_84, %add3A_119 : i32
      %mul3A_121 = arith.constant 80 : i32
      %mul3A_122 = arith.muli %add3A_120, %mul3A_121 : i32
      "tpu.region"() ({
        %run_scoped3A = tpu.sem_alloc : memref<!tpu.dma_semaphore, #tpu.memory_space<semaphore_mem>>
        %dma_start3A_152 = tpu.memref_slice %arg11[%mul3A_122] : memref<10000xi32, #tpu.memory_space<vmem>> -> memref<80xi32, #tpu.memory_space<vmem>>
        %dma_start3A_153 = arith.constant 0 : i32
        %dma_start3A_154 = tpu.memref_slice %arg17[%dma_start3A_153] : memref<10240xf32, #tpu.memory_space<vmem_shared>> -> memref<10240xf32, #tpu.memory_space<vmem_shared>>
        tpu.enqueue_indirect_dma source(%arg15 : memref<80xf32, #tpu.memory_space<vmem>>) target(%dma_start3A_154 : memref<10240xf32, #tpu.memory_space<vmem_shared>>) offsets(%dma_start3A_152 : memref<80xi32, #tpu.memory_space<vmem>>) semaphore(%run_scoped3A : memref<!tpu.dma_semaphore, #tpu.memory_space<semaphore_mem>>) {add = true}
        %dma_wait3A_155 = tpu.memref_slice %arg11[%mul3A_122] : memref<10000xi32, #tpu.memory_space<vmem>> -> memref<80xi32, #tpu.memory_space<vmem>>
        %dma_wait3A_156 = arith.constant 0 : i32
        %dma_wait3A_157 = tpu.memref_slice %arg17[%dma_wait3A_156] : memref<10240xf32, #tpu.memory_space<vmem_shared>> -> memref<10240xf32, #tpu.memory_space<vmem_shared>>
        tpu.wait_indirect_dma semaphore(%run_scoped3A : memref<!tpu.dma_semaphore, #tpu.memory_space<semaphore_mem>>) src(%arg15 : memref<80xf32, #tpu.memory_space<vmem>>) dst(%dma_wait3A_157 : memref<10240xf32, #tpu.memory_space<vmem_shared>>)
        tpu.yield
      }) : () -> ()
      %add3A_123 = arith.constant 1 : i32
      %add3A_124 = arith.addi %mul3A_84, %add3A_123 : i32
      %mul3A_125 = arith.constant 80 : i32
      %mul3A_126 = arith.muli %add3A_124, %mul3A_125 : i32
      "tpu.region"() ({
        %run_scoped3A = tpu.sem_alloc : memref<!tpu.dma_semaphore, #tpu.memory_space<semaphore_mem>>
        %dma_start3A_152 = tpu.memref_slice %arg12[%mul3A_126] : memref<10000xi32, #tpu.memory_space<vmem>> -> memref<80xi32, #tpu.memory_space<vmem>>
        %dma_start3A_153 = arith.constant 0 : i32
        %dma_start3A_154 = tpu.memref_slice %arg18[%dma_start3A_153] : memref<10240xf32, #tpu.memory_space<vmem_shared>> -> memref<10240xf32, #tpu.memory_space<vmem_shared>>
        tpu.enqueue_indirect_dma source(%arg15 : memref<80xf32, #tpu.memory_space<vmem>>) target(%dma_start3A_154 : memref<10240xf32, #tpu.memory_space<vmem_shared>>) offsets(%dma_start3A_152 : memref<80xi32, #tpu.memory_space<vmem>>) semaphore(%run_scoped3A : memref<!tpu.dma_semaphore, #tpu.memory_space<semaphore_mem>>) {add = true}
        %dma_wait3A_155 = tpu.memref_slice %arg12[%mul3A_126] : memref<10000xi32, #tpu.memory_space<vmem>> -> memref<80xi32, #tpu.memory_space<vmem>>
        %dma_wait3A_156 = arith.constant 0 : i32
        %dma_wait3A_157 = tpu.memref_slice %arg18[%dma_wait3A_156] : memref<10240xf32, #tpu.memory_space<vmem_shared>> -> memref<10240xf32, #tpu.memory_space<vmem_shared>>
        tpu.wait_indirect_dma semaphore(%run_scoped3A : memref<!tpu.dma_semaphore, #tpu.memory_space<semaphore_mem>>) src(%arg15 : memref<80xf32, #tpu.memory_space<vmem>>) dst(%dma_wait3A_157 : memref<10240xf32, #tpu.memory_space<vmem_shared>>)
        tpu.yield
      }) : () -> ()
      %dma_wait3A_127 = arith.constant 0 : i32
      %dma_wait3A_128 = tpu.memref_slice %arg12[%dma_wait3A_127] : memref<10000xi32, #tpu.memory_space<vmem>> -> memref<80xi32, #tpu.memory_space<vmem>>
      %dma_wait3A_129 = arith.constant 0 : i32
      %dma_wait3A_130 = arith.constant 0 : i32
      %dma_wait3A_131 = tpu.memref_slice %arg16[%dma_wait3A_129, %dma_wait3A_130] : memref<10240x128xf32, #tpu.memory_space<vmem_shared>> -> memref<10240x128xf32, #tpu.memory_space<vmem_shared>>
      tpu.wait_indirect_dma semaphore(%arg21 : memref<!tpu.dma_semaphore, #tpu.memory_space<semaphore_mem>>) src(%arg13 : memref<80x128xf32, #tpu.memory_space<vmem>>) dst(%dma_wait3A_131 : memref<10240x128xf32, #tpu.memory_space<vmem_shared>>)
      %add3A_132 = arith.constant 0 : i32
      %add3A_133 = arith.addi %mul3A_84, %add3A_132 : i32
      %add3A_134 = arith.constant 2 : i32
      %add3A_135 = arith.addi %add3A_133, %add3A_134 : i32
      %lt3A = arith.constant 125 : i32
      %lt3A_136 = arith.cmpi slt, %add3A_135, %lt3A : i32
      %convert_element_type3A = arith.extui %lt3A_136 : i1 to i32
      %cond3A = arith.constant 0 : i32
      %cond3A_137 = arith.cmpi ne, %convert_element_type3A, %cond3A : i32
      scf.if %cond3A_137 {
        %add3A_152 = arith.constant 0 : i32
        %add3A_153 = arith.addi %mul3A_84, %add3A_152 : i32
        %add3A_154 = arith.constant 2 : i32
        %add3A_155 = arith.addi %add3A_153, %add3A_154 : i32
        %mul3A_156 = arith.constant 80 : i32
        %mul3A_157 = arith.muli %add3A_155, %mul3A_156 : i32
        %dma_start3A_158 = tpu.memref_slice %arg11[%mul3A_157] : memref<10000xi32, #tpu.memory_space<vmem>> -> memref<80xi32, #tpu.memory_space<vmem>>
        %dma_start3A_159 = arith.constant 0 : i32
        %dma_start3A_160 = arith.constant 0 : i32
        %dma_start3A_161 = tpu.memref_slice %arg2[%dma_start3A_159, %dma_start3A_160] : memref<10000x128xf32, #tpu.memory_space<hbm>> -> memref<10000x128xf32, #tpu.memory_space<hbm>>
        tpu.enqueue_indirect_dma source(%dma_start3A_161 : memref<10000x128xf32, #tpu.memory_space<hbm>>) target(%arg13 : memref<80x128xf32, #tpu.memory_space<vmem>>) offsets(%dma_start3A_158 : memref<80xi32, #tpu.memory_space<vmem>>) semaphore(%arg19 : memref<!tpu.dma_semaphore, #tpu.memory_space<semaphore_mem>>)
      } else {
      }
      %dma_wait3A_138 = arith.constant 0 : i32
      %dma_wait3A_139 = tpu.memref_slice %arg12[%dma_wait3A_138] : memref<10000xi32, #tpu.memory_space<vmem>> -> memref<80xi32, #tpu.memory_space<vmem>>
      %dma_wait3A_140 = arith.constant 0 : i32
      %dma_wait3A_141 = arith.constant 0 : i32
      %dma_wait3A_142 = tpu.memref_slice %arg16[%dma_wait3A_140, %dma_wait3A_141] : memref<10240x128xf32, #tpu.memory_space<vmem_shared>> -> memref<10240x128xf32, #tpu.memory_space<vmem_shared>>
      tpu.wait_indirect_dma semaphore(%arg22 : memref<!tpu.dma_semaphore, #tpu.memory_space<semaphore_mem>>) src(%arg14 : memref<80x128xf32, #tpu.memory_space<vmem>>) dst(%dma_wait3A_142 : memref<10240x128xf32, #tpu.memory_space<vmem_shared>>)
      %add3A_143 = arith.constant 1 : i32
      %add3A_144 = arith.addi %mul3A_84, %add3A_143 : i32
      %add3A_145 = arith.constant 2 : i32
      %add3A_146 = arith.addi %add3A_144, %add3A_145 : i32
      %lt3A_147 = arith.constant 125 : i32
      %lt3A_148 = arith.cmpi slt, %add3A_146, %lt3A_147 : i32
      %convert_element_type3A_149 = arith.extui %lt3A_148 : i1 to i32
      %cond3A_150 = arith.constant 0 : i32
      %cond3A_151 = arith.cmpi ne, %convert_element_type3A_149, %cond3A_150 : i32
      scf.if %cond3A_151 {
        %add3A_152 = arith.constant 1 : i32
        %add3A_153 = arith.addi %mul3A_84, %add3A_152 : i32
        %add3A_154 = arith.constant 2 : i32
        %add3A_155 = arith.addi %add3A_153, %add3A_154 : i32
        %mul3A_156 = arith.constant 80 : i32
        %mul3A_157 = arith.muli %add3A_155, %mul3A_156 : i32
        %dma_start3A_158 = tpu.memref_slice %arg11[%mul3A_157] : memref<10000xi32, #tpu.memory_space<vmem>> -> memref<80xi32, #tpu.memory_space<vmem>>
        %dma_start3A_159 = arith.constant 0 : i32
        %dma_start3A_160 = arith.constant 0 : i32
        %dma_start3A_161 = tpu.memref_slice %arg2[%dma_start3A_159, %dma_start3A_160] : memref<10000x128xf32, #tpu.memory_space<hbm>> -> memref<10000x128xf32, #tpu.memory_space<hbm>>
        tpu.enqueue_indirect_dma source(%dma_start3A_161 : memref<10000x128xf32, #tpu.memory_space<hbm>>) target(%arg14 : memref<80x128xf32, #tpu.memory_space<vmem>>) offsets(%dma_start3A_158 : memref<80xi32, #tpu.memory_space<vmem>>) semaphore(%arg20 : memref<!tpu.dma_semaphore, #tpu.memory_space<semaphore_mem>>)
      } else {
      }
    }
    %scan3A_54 = arith.constant 62 : i32
    %dma_wait3A = arith.constant 0 : i32
    %dma_wait3A_55 = tpu.memref_slice %arg11[%dma_wait3A] : memref<10000xi32, #tpu.memory_space<vmem>> -> memref<80xi32, #tpu.memory_space<vmem>>
    %dma_wait3A_56 = arith.constant 0 : i32
    %dma_wait3A_57 = arith.constant 0 : i32
    %dma_wait3A_58 = tpu.memref_slice %arg2[%dma_wait3A_56, %dma_wait3A_57] : memref<10000x128xf32, #tpu.memory_space<hbm>> -> memref<10000x128xf32, #tpu.memory_space<hbm>>
    tpu.wait_indirect_dma semaphore(%arg19 : memref<!tpu.dma_semaphore, #tpu.memory_space<semaphore_mem>>) src(%dma_wait3A_58 : memref<10000x128xf32, #tpu.memory_space<hbm>>) dst(%arg13 : memref<80x128xf32, #tpu.memory_space<vmem>>)
    %dma_start3A_59 = arith.constant 9920 : i32
    %dma_start3A_60 = tpu.memref_slice %arg12[%dma_start3A_59] : memref<10000xi32, #tpu.memory_space<vmem>> -> memref<80xi32, #tpu.memory_space<vmem>>
    %dma_start3A_61 = arith.constant 0 : i32
    %dma_start3A_62 = arith.constant 0 : i32
    %dma_start3A_63 = tpu.memref_slice %arg16[%dma_start3A_61, %dma_start3A_62] : memref<10240x128xf32, #tpu.memory_space<vmem_shared>> -> memref<10240x128xf32, #tpu.memory_space<vmem_shared>>
    tpu.enqueue_indirect_dma source(%arg13 : memref<80x128xf32, #tpu.memory_space<vmem>>) target(%dma_start3A_63 : memref<10240x128xf32, #tpu.memory_space<vmem_shared>>) offsets(%dma_start3A_60 : memref<80xi32, #tpu.memory_space<vmem>>) semaphore(%arg21 : memref<!tpu.dma_semaphore, #tpu.memory_space<semaphore_mem>>) {add = true}
    "tpu.region"() ({
      %run_scoped3A = tpu.sem_alloc : memref<!tpu.dma_semaphore, #tpu.memory_space<semaphore_mem>>
      %dma_start3A_82 = arith.constant 9920 : i32
      %dma_start3A_83 = tpu.memref_slice %arg11[%dma_start3A_82] : memref<10000xi32, #tpu.memory_space<vmem>> -> memref<80xi32, #tpu.memory_space<vmem>>
      %dma_start3A_84 = arith.constant 0 : i32
      %dma_start3A_85 = tpu.memref_slice %arg17[%dma_start3A_84] : memref<10240xf32, #tpu.memory_space<vmem_shared>> -> memref<10240xf32, #tpu.memory_space<vmem_shared>>
      tpu.enqueue_indirect_dma source(%arg15 : memref<80xf32, #tpu.memory_space<vmem>>) target(%dma_start3A_85 : memref<10240xf32, #tpu.memory_space<vmem_shared>>) offsets(%dma_start3A_83 : memref<80xi32, #tpu.memory_space<vmem>>) semaphore(%run_scoped3A : memref<!tpu.dma_semaphore, #tpu.memory_space<semaphore_mem>>) {add = true}
      %dma_wait3A_86 = arith.constant 9920 : i32
      %dma_wait3A_87 = tpu.memref_slice %arg11[%dma_wait3A_86] : memref<10000xi32, #tpu.memory_space<vmem>> -> memref<80xi32, #tpu.memory_space<vmem>>
      %dma_wait3A_88 = arith.constant 0 : i32
      %dma_wait3A_89 = tpu.memref_slice %arg17[%dma_wait3A_88] : memref<10240xf32, #tpu.memory_space<vmem_shared>> -> memref<10240xf32, #tpu.memory_space<vmem_shared>>
      tpu.wait_indirect_dma semaphore(%run_scoped3A : memref<!tpu.dma_semaphore, #tpu.memory_space<semaphore_mem>>) src(%arg15 : memref<80xf32, #tpu.memory_space<vmem>>) dst(%dma_wait3A_89 : memref<10240xf32, #tpu.memory_space<vmem_shared>>)
      tpu.yield
    }) : () -> ()
    "tpu.region"() ({
      %run_scoped3A = tpu.sem_alloc : memref<!tpu.dma_semaphore, #tpu.memory_space<semaphore_mem>>
      %dma_start3A_82 = arith.constant 9920 : i32
      %dma_start3A_83 = tpu.memref_slice %arg12[%dma_start3A_82] : memref<10000xi32, #tpu.memory_space<vmem>> -> memref<80xi32, #tpu.memory_space<vmem>>
      %dma_start3A_84 = arith.constant 0 : i32
      %dma_start3A_85 = tpu.memref_slice %arg18[%dma_start3A_84] : memref<10240xf32, #tpu.memory_space<vmem_shared>> -> memref<10240xf32, #tpu.memory_space<vmem_shared>>
      tpu.enqueue_indirect_dma source(%arg15 : memref<80xf32, #tpu.memory_space<vmem>>) target(%dma_start3A_85 : memref<10240xf32, #tpu.memory_space<vmem_shared>>) offsets(%dma_start3A_83 : memref<80xi32, #tpu.memory_space<vmem>>) semaphore(%run_scoped3A : memref<!tpu.dma_semaphore, #tpu.memory_space<semaphore_mem>>) {add = true}
      %dma_wait3A_86 = arith.constant 9920 : i32
      %dma_wait3A_87 = tpu.memref_slice %arg12[%dma_wait3A_86] : memref<10000xi32, #tpu.memory_space<vmem>> -> memref<80xi32, #tpu.memory_space<vmem>>
      %dma_wait3A_88 = arith.constant 0 : i32
      %dma_wait3A_89 = tpu.memref_slice %arg18[%dma_wait3A_88] : memref<10240xf32, #tpu.memory_space<vmem_shared>> -> memref<10240xf32, #tpu.memory_space<vmem_shared>>
      tpu.wait_indirect_dma semaphore(%run_scoped3A : memref<!tpu.dma_semaphore, #tpu.memory_space<semaphore_mem>>) src(%arg15 : memref<80xf32, #tpu.memory_space<vmem>>) dst(%dma_wait3A_89 : memref<10240xf32, #tpu.memory_space<vmem_shared>>)
      tpu.yield
    }) : () -> ()
    %dma_wait3A_64 = arith.constant 0 : i32
    %dma_wait3A_65 = tpu.memref_slice %arg12[%dma_wait3A_64] : memref<10000xi32, #tpu.memory_space<vmem>> -> memref<80xi32, #tpu.memory_space<vmem>>
    %dma_wait3A_66 = arith.constant 0 : i32
    %dma_wait3A_67 = arith.constant 0 : i32
    %dma_wait3A_68 = tpu.memref_slice %arg16[%dma_wait3A_66, %dma_wait3A_67] : memref<10240x128xf32, #tpu.memory_space<vmem_shared>> -> memref<10240x128xf32, #tpu.memory_space<vmem_shared>>
    tpu.wait_indirect_dma semaphore(%arg21 : memref<!tpu.dma_semaphore, #tpu.memory_space<semaphore_mem>>) src(%arg13 : memref<80x128xf32, #tpu.memory_space<vmem>>) dst(%dma_wait3A_68 : memref<10240x128xf32, #tpu.memory_space<vmem_shared>>)
    %barrier3A_69 = arith.constant 0 : index
    tpu.barrier barrier_id(%barrier3A_69)
    %mul3A_70 = arith.constant 640 : i32
    %mul3A_71 = arith.muli %arg1, %mul3A_70 : i32
    %mul3A_72 = arith.constant 640 : i32
    %mul3A_73 = arith.muli %arg1, %mul3A_72 : i32
    "tpu.region"() ({
      %run_scoped3A = tpu.sem_alloc : memref<!tpu.dma_semaphore, #tpu.memory_space<semaphore_mem>>
      %dma_start3A_82 = arith.constant 0 : i32
      %dma_start3A_83 = tpu.memref_slice %arg8[%arg0, %mul3A_73, %dma_start3A_82] : memref<2x10240x128xf32, #tpu.memory_space<hbm>> -> memref<1x640x128xf32, #tpu.memory_space<hbm>>
      %dma_start3A_84 = tpu.memref_squeeze %dma_start3A_83 : memref<1x640x128xf32, #tpu.memory_space<hbm>> -> memref<640x128xf32, #tpu.memory_space<hbm>>
      %dma_start3A_85 = arith.constant 0 : i32
      %dma_start3A_86 = tpu.memref_slice %arg16[%mul3A_71, %dma_start3A_85] : memref<10240x128xf32, #tpu.memory_space<vmem_shared>> -> memref<640x128xf32, #tpu.memory_space<vmem_shared>>
      tpu.enqueue_dma source(%dma_start3A_86 : memref<640x128xf32, #tpu.memory_space<vmem_shared>>) target(%dma_start3A_84 : memref<640x128xf32, #tpu.memory_space<hbm>>) target_semaphore(%run_scoped3A : memref<!tpu.dma_semaphore, #tpu.memory_space<semaphore_mem>>)
      %dma_wait3A_87 = arith.constant 0 : i32
      %dma_wait3A_88 = tpu.memref_slice %arg8[%arg0, %mul3A_73, %dma_wait3A_87] : memref<2x10240x128xf32, #tpu.memory_space<hbm>> -> memref<1x640x128xf32, #tpu.memory_space<hbm>>
      %dma_wait3A_89 = tpu.memref_squeeze %dma_wait3A_88 : memref<1x640x128xf32, #tpu.memory_space<hbm>> -> memref<640x128xf32, #tpu.memory_space<hbm>>
      %dma_wait3A_90 = arith.constant 0 : i32
      %dma_wait3A_91 = tpu.memref_slice %arg16[%mul3A_71, %dma_wait3A_90] : memref<10240x128xf32, #tpu.memory_space<vmem_shared>> -> memref<640x128xf32, #tpu.memory_space<vmem_shared>>
      tpu.wait_dma2 semaphore(%run_scoped3A : memref<!tpu.dma_semaphore, #tpu.memory_space<semaphore_mem>>) src(%dma_wait3A_91 : memref<640x128xf32, #tpu.memory_space<vmem_shared>>) dst(%dma_wait3A_89 : memref<640x128xf32, #tpu.memory_space<hbm>>)
      tpu.yield
    }) : () -> ()
    %mul3A_74 = arith.constant 640 : i32
    %mul3A_75 = arith.muli %arg1, %mul3A_74 : i32
    %mul3A_76 = arith.constant 640 : i32
    %mul3A_77 = arith.muli %arg1, %mul3A_76 : i32
    "tpu.region"() ({
      %run_scoped3A = tpu.sem_alloc : memref<!tpu.dma_semaphore, #tpu.memory_space<semaphore_mem>>
      %dma_start3A_82 = tpu.memref_slice %arg9[%arg0, %mul3A_77] : memref<2x10240xf32, #tpu.memory_space<hbm>> -> memref<1x640xf32, #tpu.memory_space<hbm>>
      %dma_start3A_83 = tpu.memref_squeeze %dma_start3A_82 : memref<1x640xf32, #tpu.memory_space<hbm>> -> memref<640xf32, #tpu.memory_space<hbm>>
      %dma_start3A_84 = tpu.memref_slice %arg17[%mul3A_75] : memref<10240xf32, #tpu.memory_space<vmem_shared>> -> memref<640xf32, #tpu.memory_space<vmem_shared>>
      tpu.enqueue_dma source(%dma_start3A_84 : memref<640xf32, #tpu.memory_space<vmem_shared>>) target(%dma_start3A_83 : memref<640xf32, #tpu.memory_space<hbm>>) target_semaphore(%run_scoped3A : memref<!tpu.dma_semaphore, #tpu.memory_space<semaphore_mem>>)
      %dma_wait3A_85 = tpu.memref_slice %arg9[%arg0, %mul3A_77] : memref<2x10240xf32, #tpu.memory_space<hbm>> -> memref<1x640xf32, #tpu.memory_space<hbm>>
      %dma_wait3A_86 = tpu.memref_squeeze %dma_wait3A_85 : memref<1x640xf32, #tpu.memory_space<hbm>> -> memref<640xf32, #tpu.memory_space<hbm>>
      %dma_wait3A_87 = tpu.memref_slice %arg17[%mul3A_75] : memref<10240xf32, #tpu.memory_space<vmem_shared>> -> memref<640xf32, #tpu.memory_space<vmem_shared>>
      tpu.wait_dma2 semaphore(%run_scoped3A : memref<!tpu.dma_semaphore, #tpu.memory_space<semaphore_mem>>) src(%dma_wait3A_87 : memref<640xf32, #tpu.memory_space<vmem_shared>>) dst(%dma_wait3A_86 : memref<640xf32, #tpu.memory_space<hbm>>)
      tpu.yield
    }) : () -> ()
    %mul3A_78 = arith.constant 640 : i32
    %mul3A_79 = arith.muli %arg1, %mul3A_78 : i32
    %mul3A_80 = arith.constant 640 : i32
    %mul3A_81 = arith.muli %arg1, %mul3A_80 : i32
    "tpu.region"() ({
      %run_scoped3A = tpu.sem_alloc : memref<!tpu.dma_semaphore, #tpu.memory_space<semaphore_mem>>
      %dma_start3A_82 = tpu.memref_slice %arg10[%arg0, %mul3A_81] : memref<2x10240xf32, #tpu.memory_space<hbm>> -> memref<1x640xf32, #tpu.memory_space<hbm>>
      %dma_start3A_83 = tpu.memref_squeeze %dma_start3A_82 : memref<1x640xf32, #tpu.memory_space<hbm>> -> memref<640xf32, #tpu.memory_space<hbm>>
      %dma_start3A_84 = tpu.memref_slice %arg18[%mul3A_79] : memref<10240xf32, #tpu.memory_space<vmem_shared>> -> memref<640xf32, #tpu.memory_space<vmem_shared>>
      tpu.enqueue_dma source(%dma_start3A_84 : memref<640xf32, #tpu.memory_space<vmem_shared>>) target(%dma_start3A_83 : memref<640xf32, #tpu.memory_space<hbm>>) target_semaphore(%run_scoped3A : memref<!tpu.dma_semaphore, #tpu.memory_space<semaphore_mem>>)
      %dma_wait3A_85 = tpu.memref_slice %arg10[%arg0, %mul3A_81] : memref<2x10240xf32, #tpu.memory_space<hbm>> -> memref<1x640xf32, #tpu.memory_space<hbm>>
      %dma_wait3A_86 = tpu.memref_squeeze %dma_wait3A_85 : memref<1x640xf32, #tpu.memory_space<hbm>> -> memref<640xf32, #tpu.memory_space<hbm>>
      %dma_wait3A_87 = tpu.memref_slice %arg18[%mul3A_79] : memref<10240xf32, #tpu.memory_space<vmem_shared>> -> memref<640xf32, #tpu.memory_space<vmem_shared>>
      tpu.wait_dma2 semaphore(%run_scoped3A : memref<!tpu.dma_semaphore, #tpu.memory_space<semaphore_mem>>) src(%dma_wait3A_87 : memref<640xf32, #tpu.memory_space<vmem_shared>>) dst(%dma_wait3A_86 : memref<640xf32, #tpu.memory_space<hbm>>)
      tpu.yield
    }) : () -> ()
    return
  }
}

#map = affine_map<(d0, d1) -> (0, 0)>
#map1 = affine_map<(d0, d1) -> (0, 0, 0)>
module attributes {stable_mosaic.version = 14 : i64} {
  func.func @body(%arg0: i32, %arg1: i32, %arg2: memref<10240x128xf32, #tpu.memory_space<hbm>>, %arg3: memref<32x10000xi32, #tpu.memory_space<hbm>>, %arg4: memref<32x10000xi32, #tpu.memory_space<hbm>>, %arg5: memref<80x128xf32, #tpu.memory_space<hbm>>, %arg6: memref<2x10240x128xf32, #tpu.memory_space<hbm>>, %arg7: memref<10000xi32, #tpu.memory_space<vmem>>, %arg8: memref<10000xi32, #tpu.memory_space<vmem>>, %arg9: memref<80x128xf32, #tpu.memory_space<vmem>>, %arg10: memref<80x128xf32, #tpu.memory_space<vmem>>, %arg11: memref<10240x128xf32, #tpu.memory_space<vmem_shared>>, %arg12: memref<!tpu.dma_semaphore, #tpu.memory_space<semaphore_mem>>, %arg13: memref<!tpu.dma_semaphore, #tpu.memory_space<semaphore_mem>>, %arg14: memref<!tpu.dma_semaphore, #tpu.memory_space<semaphore_mem>>, %arg15: memref<!tpu.dma_semaphore, #tpu.memory_space<semaphore_mem>>) attributes {dimension_semantics = [#tpu.dimension_semantics<core_parallel>, #tpu.dimension_semantics<subcore_parallel>], iteration_bounds = array<i64: 2, 16>, scalar_prefetch = 0 : i64, scratch_operands = 9 : i64, tpu.core_type = #tpu.core_type<sc_vector_subcore>, window_params = [{transform_indices = #map}, {transform_indices = #map}, {transform_indices = #map}, {transform_indices = #map}, {transform_indices = #map1}]} {
    %mul3A = arith.constant 2 : i32
    %mul3A_0 = arith.muli %arg1, %mul3A : i32
    %add3A = arith.addi %mul3A_0, %arg0 : i32
    "tpu.region"() ({
      %run_scoped3A = tpu.sem_alloc : memref<!tpu.dma_semaphore, #tpu.memory_space<semaphore_mem>>
      %dma_start3A_66 = arith.constant 0 : i32
      %dma_start3A_67 = tpu.memref_slice %arg3[%add3A, %dma_start3A_66] : memref<32x10000xi32, #tpu.memory_space<hbm>> -> memref<1x10000xi32, #tpu.memory_space<hbm>>
      %dma_start3A_68 = tpu.memref_squeeze %dma_start3A_67 : memref<1x10000xi32, #tpu.memory_space<hbm>> -> memref<10000xi32, #tpu.memory_space<hbm>>
      %dma_start3A_69 = arith.constant 0 : i32
      %dma_start3A_70 = tpu.memref_slice %arg3[%add3A, %dma_start3A_69] : memref<32x10000xi32, #tpu.memory_space<hbm>> -> memref<1x10000xi32, #tpu.memory_space<hbm>>
      %dma_start3A_71 = tpu.memref_squeeze %dma_start3A_70 : memref<1x10000xi32, #tpu.memory_space<hbm>> -> memref<10000xi32, #tpu.memory_space<hbm>>
      tpu.enqueue_dma source(%dma_start3A_71 : memref<10000xi32, #tpu.memory_space<hbm>>) target(%arg7 : memref<10000xi32, #tpu.memory_space<vmem>>) target_semaphore(%run_scoped3A : memref<!tpu.dma_semaphore, #tpu.memory_space<semaphore_mem>>)
      %dma_wait3A_72 = arith.constant 0 : i32
      %dma_wait3A_73 = tpu.memref_slice %arg3[%add3A, %dma_wait3A_72] : memref<32x10000xi32, #tpu.memory_space<hbm>> -> memref<1x10000xi32, #tpu.memory_space<hbm>>
      %dma_wait3A_74 = tpu.memref_squeeze %dma_wait3A_73 : memref<1x10000xi32, #tpu.memory_space<hbm>> -> memref<10000xi32, #tpu.memory_space<hbm>>
      %dma_wait3A_75 = arith.constant 0 : i32
      %dma_wait3A_76 = tpu.memref_slice %arg3[%add3A, %dma_wait3A_75] : memref<32x10000xi32, #tpu.memory_space<hbm>> -> memref<1x10000xi32, #tpu.memory_space<hbm>>
      %dma_wait3A_77 = tpu.memref_squeeze %dma_wait3A_76 : memref<1x10000xi32, #tpu.memory_space<hbm>> -> memref<10000xi32, #tpu.memory_space<hbm>>
      tpu.wait_dma2 semaphore(%run_scoped3A : memref<!tpu.dma_semaphore, #tpu.memory_space<semaphore_mem>>) src(%dma_wait3A_77 : memref<10000xi32, #tpu.memory_space<hbm>>) dst(%arg7 : memref<10000xi32, #tpu.memory_space<vmem>>)
      tpu.yield
    }) : () -> ()
    "tpu.region"() ({
      %run_scoped3A = tpu.sem_alloc : memref<!tpu.dma_semaphore, #tpu.memory_space<semaphore_mem>>
      %dma_start3A_66 = arith.constant 0 : i32
      %dma_start3A_67 = tpu.memref_slice %arg4[%add3A, %dma_start3A_66] : memref<32x10000xi32, #tpu.memory_space<hbm>> -> memref<1x10000xi32, #tpu.memory_space<hbm>>
      %dma_start3A_68 = tpu.memref_squeeze %dma_start3A_67 : memref<1x10000xi32, #tpu.memory_space<hbm>> -> memref<10000xi32, #tpu.memory_space<hbm>>
      %dma_start3A_69 = arith.constant 0 : i32
      %dma_start3A_70 = tpu.memref_slice %arg4[%add3A, %dma_start3A_69] : memref<32x10000xi32, #tpu.memory_space<hbm>> -> memref<1x10000xi32, #tpu.memory_space<hbm>>
      %dma_start3A_71 = tpu.memref_squeeze %dma_start3A_70 : memref<1x10000xi32, #tpu.memory_space<hbm>> -> memref<10000xi32, #tpu.memory_space<hbm>>
      tpu.enqueue_dma source(%dma_start3A_71 : memref<10000xi32, #tpu.memory_space<hbm>>) target(%arg8 : memref<10000xi32, #tpu.memory_space<vmem>>) target_semaphore(%run_scoped3A : memref<!tpu.dma_semaphore, #tpu.memory_space<semaphore_mem>>)
      %dma_wait3A_72 = arith.constant 0 : i32
      %dma_wait3A_73 = tpu.memref_slice %arg4[%add3A, %dma_wait3A_72] : memref<32x10000xi32, #tpu.memory_space<hbm>> -> memref<1x10000xi32, #tpu.memory_space<hbm>>
      %dma_wait3A_74 = tpu.memref_squeeze %dma_wait3A_73 : memref<1x10000xi32, #tpu.memory_space<hbm>> -> memref<10000xi32, #tpu.memory_space<hbm>>
      %dma_wait3A_75 = arith.constant 0 : i32
      %dma_wait3A_76 = tpu.memref_slice %arg4[%add3A, %dma_wait3A_75] : memref<32x10000xi32, #tpu.memory_space<hbm>> -> memref<1x10000xi32, #tpu.memory_space<hbm>>
      %dma_wait3A_77 = tpu.memref_squeeze %dma_wait3A_76 : memref<1x10000xi32, #tpu.memory_space<hbm>> -> memref<10000xi32, #tpu.memory_space<hbm>>
      tpu.wait_dma2 semaphore(%run_scoped3A : memref<!tpu.dma_semaphore, #tpu.memory_space<semaphore_mem>>) src(%dma_wait3A_77 : memref<10000xi32, #tpu.memory_space<hbm>>) dst(%arg8 : memref<10000xi32, #tpu.memory_space<vmem>>)
      tpu.yield
    }) : () -> ()
    "tpu.region"() ({
      %run_scoped3A = tpu.sem_alloc : memref<!tpu.dma_semaphore, #tpu.memory_space<semaphore_mem>>
      tpu.enqueue_dma source(%arg5 : memref<80x128xf32, #tpu.memory_space<hbm>>) target(%arg9 : memref<80x128xf32, #tpu.memory_space<vmem>>) target_semaphore(%run_scoped3A : memref<!tpu.dma_semaphore, #tpu.memory_space<semaphore_mem>>)
      tpu.wait_dma2 semaphore(%run_scoped3A : memref<!tpu.dma_semaphore, #tpu.memory_space<semaphore_mem>>) src(%arg5 : memref<80x128xf32, #tpu.memory_space<hbm>>) dst(%arg9 : memref<80x128xf32, #tpu.memory_space<vmem>>)
      tpu.yield
    }) : () -> ()
    %mul3A_1 = arith.constant 640 : i32
    %mul3A_2 = arith.muli %arg1, %mul3A_1 : i32
    %add3A_3 = arith.constant 0 : i32
    %add3A_4 = arith.addi %mul3A_2, %add3A_3 : i32
    "tpu.region"() ({
      %run_scoped3A = tpu.sem_alloc : memref<!tpu.dma_semaphore, #tpu.memory_space<semaphore_mem>>
      %dma_start3A_66 = arith.constant 0 : i32
      %dma_start3A_67 = tpu.memref_slice %arg11[%add3A_4, %dma_start3A_66] : memref<10240x128xf32, #tpu.memory_space<vmem_shared>> -> memref<80x128xf32, #tpu.memory_space<vmem_shared>>
      %dma_start3A_68 = arith.constant 0 : i32
      %dma_start3A_69 = tpu.memref_slice %arg11[%add3A_4, %dma_start3A_68] : memref<10240x128xf32, #tpu.memory_space<vmem_shared>> -> memref<80x128xf32, #tpu.memory_space<vmem_shared>>
      tpu.enqueue_dma source(%arg9 : memref<80x128xf32, #tpu.memory_space<vmem>>) target(%dma_start3A_69 : memref<80x128xf32, #tpu.memory_space<vmem_shared>>) target_semaphore(%run_scoped3A : memref<!tpu.dma_semaphore, #tpu.memory_space<semaphore_mem>>)
      %dma_wait3A_70 = arith.constant 0 : i32
      %dma_wait3A_71 = tpu.memref_slice %arg11[%add3A_4, %dma_wait3A_70] : memref<10240x128xf32, #tpu.memory_space<vmem_shared>> -> memref<80x128xf32, #tpu.memory_space<vmem_shared>>
      %dma_wait3A_72 = arith.constant 0 : i32
      %dma_wait3A_73 = tpu.memref_slice %arg11[%add3A_4, %dma_wait3A_72] : memref<10240x128xf32, #tpu.memory_space<vmem_shared>> -> memref<80x128xf32, #tpu.memory_space<vmem_shared>>
      tpu.wait_dma2 semaphore(%run_scoped3A : memref<!tpu.dma_semaphore, #tpu.memory_space<semaphore_mem>>) src(%arg9 : memref<80x128xf32, #tpu.memory_space<vmem>>) dst(%dma_wait3A_73 : memref<80x128xf32, #tpu.memory_space<vmem_shared>>)
      tpu.yield
    }) : () -> ()
    %mul3A_5 = arith.constant 640 : i32
    %mul3A_6 = arith.muli %arg1, %mul3A_5 : i32
    %add3A_7 = arith.constant 80 : i32
    %add3A_8 = arith.addi %mul3A_6, %add3A_7 : i32
    "tpu.region"() ({
      %run_scoped3A = tpu.sem_alloc : memref<!tpu.dma_semaphore, #tpu.memory_space<semaphore_mem>>
      %dma_start3A_66 = arith.constant 0 : i32
      %dma_start3A_67 = tpu.memref_slice %arg11[%add3A_8, %dma_start3A_66] : memref<10240x128xf32, #tpu.memory_space<vmem_shared>> -> memref<80x128xf32, #tpu.memory_space<vmem_shared>>
      %dma_start3A_68 = arith.constant 0 : i32
      %dma_start3A_69 = tpu.memref_slice %arg11[%add3A_8, %dma_start3A_68] : memref<10240x128xf32, #tpu.memory_space<vmem_shared>> -> memref<80x128xf32, #tpu.memory_space<vmem_shared>>
      tpu.enqueue_dma source(%arg9 : memref<80x128xf32, #tpu.memory_space<vmem>>) target(%dma_start3A_69 : memref<80x128xf32, #tpu.memory_space<vmem_shared>>) target_semaphore(%run_scoped3A : memref<!tpu.dma_semaphore, #tpu.memory_space<semaphore_mem>>)
      %dma_wait3A_70 = arith.constant 0 : i32
      %dma_wait3A_71 = tpu.memref_slice %arg11[%add3A_8, %dma_wait3A_70] : memref<10240x128xf32, #tpu.memory_space<vmem_shared>> -> memref<80x128xf32, #tpu.memory_space<vmem_shared>>
      %dma_wait3A_72 = arith.constant 0 : i32
      %dma_wait3A_73 = tpu.memref_slice %arg11[%add3A_8, %dma_wait3A_72] : memref<10240x128xf32, #tpu.memory_space<vmem_shared>> -> memref<80x128xf32, #tpu.memory_space<vmem_shared>>
      tpu.wait_dma2 semaphore(%run_scoped3A : memref<!tpu.dma_semaphore, #tpu.memory_space<semaphore_mem>>) src(%arg9 : memref<80x128xf32, #tpu.memory_space<vmem>>) dst(%dma_wait3A_73 : memref<80x128xf32, #tpu.memory_space<vmem_shared>>)
      tpu.yield
    }) : () -> ()
    %mul3A_9 = arith.constant 640 : i32
    %mul3A_10 = arith.muli %arg1, %mul3A_9 : i32
    %add3A_11 = arith.constant 160 : i32
    %add3A_12 = arith.addi %mul3A_10, %add3A_11 : i32
    "tpu.region"() ({
      %run_scoped3A = tpu.sem_alloc : memref<!tpu.dma_semaphore, #tpu.memory_space<semaphore_mem>>
      %dma_start3A_66 = arith.constant 0 : i32
      %dma_start3A_67 = tpu.memref_slice %arg11[%add3A_12, %dma_start3A_66] : memref<10240x128xf32, #tpu.memory_space<vmem_shared>> -> memref<80x128xf32, #tpu.memory_space<vmem_shared>>
      %dma_start3A_68 = arith.constant 0 : i32
      %dma_start3A_69 = tpu.memref_slice %arg11[%add3A_12, %dma_start3A_68] : memref<10240x128xf32, #tpu.memory_space<vmem_shared>> -> memref<80x128xf32, #tpu.memory_space<vmem_shared>>
      tpu.enqueue_dma source(%arg9 : memref<80x128xf32, #tpu.memory_space<vmem>>) target(%dma_start3A_69 : memref<80x128xf32, #tpu.memory_space<vmem_shared>>) target_semaphore(%run_scoped3A : memref<!tpu.dma_semaphore, #tpu.memory_space<semaphore_mem>>)
      %dma_wait3A_70 = arith.constant 0 : i32
      %dma_wait3A_71 = tpu.memref_slice %arg11[%add3A_12, %dma_wait3A_70] : memref<10240x128xf32, #tpu.memory_space<vmem_shared>> -> memref<80x128xf32, #tpu.memory_space<vmem_shared>>
      %dma_wait3A_72 = arith.constant 0 : i32
      %dma_wait3A_73 = tpu.memref_slice %arg11[%add3A_12, %dma_wait3A_72] : memref<10240x128xf32, #tpu.memory_space<vmem_shared>> -> memref<80x128xf32, #tpu.memory_space<vmem_shared>>
      tpu.wait_dma2 semaphore(%run_scoped3A : memref<!tpu.dma_semaphore, #tpu.memory_space<semaphore_mem>>) src(%arg9 : memref<80x128xf32, #tpu.memory_space<vmem>>) dst(%dma_wait3A_73 : memref<80x128xf32, #tpu.memory_space<vmem_shared>>)
      tpu.yield
    }) : () -> ()
    %mul3A_13 = arith.constant 640 : i32
    %mul3A_14 = arith.muli %arg1, %mul3A_13 : i32
    %add3A_15 = arith.constant 240 : i32
    %add3A_16 = arith.addi %mul3A_14, %add3A_15 : i32
    "tpu.region"() ({
      %run_scoped3A = tpu.sem_alloc : memref<!tpu.dma_semaphore, #tpu.memory_space<semaphore_mem>>
      %dma_start3A_66 = arith.constant 0 : i32
      %dma_start3A_67 = tpu.memref_slice %arg11[%add3A_16, %dma_start3A_66] : memref<10240x128xf32, #tpu.memory_space<vmem_shared>> -> memref<80x128xf32, #tpu.memory_space<vmem_shared>>
      %dma_start3A_68 = arith.constant 0 : i32
      %dma_start3A_69 = tpu.memref_slice %arg11[%add3A_16, %dma_start3A_68] : memref<10240x128xf32, #tpu.memory_space<vmem_shared>> -> memref<80x128xf32, #tpu.memory_space<vmem_shared>>
      tpu.enqueue_dma source(%arg9 : memref<80x128xf32, #tpu.memory_space<vmem>>) target(%dma_start3A_69 : memref<80x128xf32, #tpu.memory_space<vmem_shared>>) target_semaphore(%run_scoped3A : memref<!tpu.dma_semaphore, #tpu.memory_space<semaphore_mem>>)
      %dma_wait3A_70 = arith.constant 0 : i32
      %dma_wait3A_71 = tpu.memref_slice %arg11[%add3A_16, %dma_wait3A_70] : memref<10240x128xf32, #tpu.memory_space<vmem_shared>> -> memref<80x128xf32, #tpu.memory_space<vmem_shared>>
      %dma_wait3A_72 = arith.constant 0 : i32
      %dma_wait3A_73 = tpu.memref_slice %arg11[%add3A_16, %dma_wait3A_72] : memref<10240x128xf32, #tpu.memory_space<vmem_shared>> -> memref<80x128xf32, #tpu.memory_space<vmem_shared>>
      tpu.wait_dma2 semaphore(%run_scoped3A : memref<!tpu.dma_semaphore, #tpu.memory_space<semaphore_mem>>) src(%arg9 : memref<80x128xf32, #tpu.memory_space<vmem>>) dst(%dma_wait3A_73 : memref<80x128xf32, #tpu.memory_space<vmem_shared>>)
      tpu.yield
    }) : () -> ()
    %mul3A_17 = arith.constant 640 : i32
    %mul3A_18 = arith.muli %arg1, %mul3A_17 : i32
    %add3A_19 = arith.constant 320 : i32
    %add3A_20 = arith.addi %mul3A_18, %add3A_19 : i32
    "tpu.region"() ({
      %run_scoped3A = tpu.sem_alloc : memref<!tpu.dma_semaphore, #tpu.memory_space<semaphore_mem>>
      %dma_start3A_66 = arith.constant 0 : i32
      %dma_start3A_67 = tpu.memref_slice %arg11[%add3A_20, %dma_start3A_66] : memref<10240x128xf32, #tpu.memory_space<vmem_shared>> -> memref<80x128xf32, #tpu.memory_space<vmem_shared>>
      %dma_start3A_68 = arith.constant 0 : i32
      %dma_start3A_69 = tpu.memref_slice %arg11[%add3A_20, %dma_start3A_68] : memref<10240x128xf32, #tpu.memory_space<vmem_shared>> -> memref<80x128xf32, #tpu.memory_space<vmem_shared>>
      tpu.enqueue_dma source(%arg9 : memref<80x128xf32, #tpu.memory_space<vmem>>) target(%dma_start3A_69 : memref<80x128xf32, #tpu.memory_space<vmem_shared>>) target_semaphore(%run_scoped3A : memref<!tpu.dma_semaphore, #tpu.memory_space<semaphore_mem>>)
      %dma_wait3A_70 = arith.constant 0 : i32
      %dma_wait3A_71 = tpu.memref_slice %arg11[%add3A_20, %dma_wait3A_70] : memref<10240x128xf32, #tpu.memory_space<vmem_shared>> -> memref<80x128xf32, #tpu.memory_space<vmem_shared>>
      %dma_wait3A_72 = arith.constant 0 : i32
      %dma_wait3A_73 = tpu.memref_slice %arg11[%add3A_20, %dma_wait3A_72] : memref<10240x128xf32, #tpu.memory_space<vmem_shared>> -> memref<80x128xf32, #tpu.memory_space<vmem_shared>>
      tpu.wait_dma2 semaphore(%run_scoped3A : memref<!tpu.dma_semaphore, #tpu.memory_space<semaphore_mem>>) src(%arg9 : memref<80x128xf32, #tpu.memory_space<vmem>>) dst(%dma_wait3A_73 : memref<80x128xf32, #tpu.memory_space<vmem_shared>>)
      tpu.yield
    }) : () -> ()
    %mul3A_21 = arith.constant 640 : i32
    %mul3A_22 = arith.muli %arg1, %mul3A_21 : i32
    %add3A_23 = arith.constant 400 : i32
    %add3A_24 = arith.addi %mul3A_22, %add3A_23 : i32
    "tpu.region"() ({
      %run_scoped3A = tpu.sem_alloc : memref<!tpu.dma_semaphore, #tpu.memory_space<semaphore_mem>>
      %dma_start3A_66 = arith.constant 0 : i32
      %dma_start3A_67 = tpu.memref_slice %arg11[%add3A_24, %dma_start3A_66] : memref<10240x128xf32, #tpu.memory_space<vmem_shared>> -> memref<80x128xf32, #tpu.memory_space<vmem_shared>>
      %dma_start3A_68 = arith.constant 0 : i32
      %dma_start3A_69 = tpu.memref_slice %arg11[%add3A_24, %dma_start3A_68] : memref<10240x128xf32, #tpu.memory_space<vmem_shared>> -> memref<80x128xf32, #tpu.memory_space<vmem_shared>>
      tpu.enqueue_dma source(%arg9 : memref<80x128xf32, #tpu.memory_space<vmem>>) target(%dma_start3A_69 : memref<80x128xf32, #tpu.memory_space<vmem_shared>>) target_semaphore(%run_scoped3A : memref<!tpu.dma_semaphore, #tpu.memory_space<semaphore_mem>>)
      %dma_wait3A_70 = arith.constant 0 : i32
      %dma_wait3A_71 = tpu.memref_slice %arg11[%add3A_24, %dma_wait3A_70] : memref<10240x128xf32, #tpu.memory_space<vmem_shared>> -> memref<80x128xf32, #tpu.memory_space<vmem_shared>>
      %dma_wait3A_72 = arith.constant 0 : i32
      %dma_wait3A_73 = tpu.memref_slice %arg11[%add3A_24, %dma_wait3A_72] : memref<10240x128xf32, #tpu.memory_space<vmem_shared>> -> memref<80x128xf32, #tpu.memory_space<vmem_shared>>
      tpu.wait_dma2 semaphore(%run_scoped3A : memref<!tpu.dma_semaphore, #tpu.memory_space<semaphore_mem>>) src(%arg9 : memref<80x128xf32, #tpu.memory_space<vmem>>) dst(%dma_wait3A_73 : memref<80x128xf32, #tpu.memory_space<vmem_shared>>)
      tpu.yield
    }) : () -> ()
    %mul3A_25 = arith.constant 640 : i32
    %mul3A_26 = arith.muli %arg1, %mul3A_25 : i32
    %add3A_27 = arith.constant 480 : i32
    %add3A_28 = arith.addi %mul3A_26, %add3A_27 : i32
    "tpu.region"() ({
      %run_scoped3A = tpu.sem_alloc : memref<!tpu.dma_semaphore, #tpu.memory_space<semaphore_mem>>
      %dma_start3A_66 = arith.constant 0 : i32
      %dma_start3A_67 = tpu.memref_slice %arg11[%add3A_28, %dma_start3A_66] : memref<10240x128xf32, #tpu.memory_space<vmem_shared>> -> memref<80x128xf32, #tpu.memory_space<vmem_shared>>
      %dma_start3A_68 = arith.constant 0 : i32
      %dma_start3A_69 = tpu.memref_slice %arg11[%add3A_28, %dma_start3A_68] : memref<10240x128xf32, #tpu.memory_space<vmem_shared>> -> memref<80x128xf32, #tpu.memory_space<vmem_shared>>
      tpu.enqueue_dma source(%arg9 : memref<80x128xf32, #tpu.memory_space<vmem>>) target(%dma_start3A_69 : memref<80x128xf32, #tpu.memory_space<vmem_shared>>) target_semaphore(%run_scoped3A : memref<!tpu.dma_semaphore, #tpu.memory_space<semaphore_mem>>)
      %dma_wait3A_70 = arith.constant 0 : i32
      %dma_wait3A_71 = tpu.memref_slice %arg11[%add3A_28, %dma_wait3A_70] : memref<10240x128xf32, #tpu.memory_space<vmem_shared>> -> memref<80x128xf32, #tpu.memory_space<vmem_shared>>
      %dma_wait3A_72 = arith.constant 0 : i32
      %dma_wait3A_73 = tpu.memref_slice %arg11[%add3A_28, %dma_wait3A_72] : memref<10240x128xf32, #tpu.memory_space<vmem_shared>> -> memref<80x128xf32, #tpu.memory_space<vmem_shared>>
      tpu.wait_dma2 semaphore(%run_scoped3A : memref<!tpu.dma_semaphore, #tpu.memory_space<semaphore_mem>>) src(%arg9 : memref<80x128xf32, #tpu.memory_space<vmem>>) dst(%dma_wait3A_73 : memref<80x128xf32, #tpu.memory_space<vmem_shared>>)
      tpu.yield
    }) : () -> ()
    %mul3A_29 = arith.constant 640 : i32
    %mul3A_30 = arith.muli %arg1, %mul3A_29 : i32
    %add3A_31 = arith.constant 560 : i32
    %add3A_32 = arith.addi %mul3A_30, %add3A_31 : i32
    "tpu.region"() ({
      %run_scoped3A = tpu.sem_alloc : memref<!tpu.dma_semaphore, #tpu.memory_space<semaphore_mem>>
      %dma_start3A_66 = arith.constant 0 : i32
      %dma_start3A_67 = tpu.memref_slice %arg11[%add3A_32, %dma_start3A_66] : memref<10240x128xf32, #tpu.memory_space<vmem_shared>> -> memref<80x128xf32, #tpu.memory_space<vmem_shared>>
      %dma_start3A_68 = arith.constant 0 : i32
      %dma_start3A_69 = tpu.memref_slice %arg11[%add3A_32, %dma_start3A_68] : memref<10240x128xf32, #tpu.memory_space<vmem_shared>> -> memref<80x128xf32, #tpu.memory_space<vmem_shared>>
      tpu.enqueue_dma source(%arg9 : memref<80x128xf32, #tpu.memory_space<vmem>>) target(%dma_start3A_69 : memref<80x128xf32, #tpu.memory_space<vmem_shared>>) target_semaphore(%run_scoped3A : memref<!tpu.dma_semaphore, #tpu.memory_space<semaphore_mem>>)
      %dma_wait3A_70 = arith.constant 0 : i32
      %dma_wait3A_71 = tpu.memref_slice %arg11[%add3A_32, %dma_wait3A_70] : memref<10240x128xf32, #tpu.memory_space<vmem_shared>> -> memref<80x128xf32, #tpu.memory_space<vmem_shared>>
      %dma_wait3A_72 = arith.constant 0 : i32
      %dma_wait3A_73 = tpu.memref_slice %arg11[%add3A_32, %dma_wait3A_72] : memref<10240x128xf32, #tpu.memory_space<vmem_shared>> -> memref<80x128xf32, #tpu.memory_space<vmem_shared>>
      tpu.wait_dma2 semaphore(%run_scoped3A : memref<!tpu.dma_semaphore, #tpu.memory_space<semaphore_mem>>) src(%arg9 : memref<80x128xf32, #tpu.memory_space<vmem>>) dst(%dma_wait3A_73 : memref<80x128xf32, #tpu.memory_space<vmem_shared>>)
      tpu.yield
    }) : () -> ()
    %barrier3A = arith.constant 0 : index
    tpu.barrier barrier_id(%barrier3A)
    %dma_start3A = arith.constant 0 : i32
    %dma_start3A_33 = tpu.memref_slice %arg7[%dma_start3A] : memref<10000xi32, #tpu.memory_space<vmem>> -> memref<80xi32, #tpu.memory_space<vmem>>
    %dma_start3A_34 = arith.constant 0 : i32
    %dma_start3A_35 = arith.constant 0 : i32
    %dma_start3A_36 = tpu.memref_slice %arg2[%dma_start3A_34, %dma_start3A_35] : memref<10240x128xf32, #tpu.memory_space<hbm>> -> memref<10240x128xf32, #tpu.memory_space<hbm>>
    tpu.enqueue_indirect_dma source(%dma_start3A_36 : memref<10240x128xf32, #tpu.memory_space<hbm>>) target(%arg9 : memref<80x128xf32, #tpu.memory_space<vmem>>) offsets(%dma_start3A_33 : memref<80xi32, #tpu.memory_space<vmem>>) semaphore(%arg12 : memref<!tpu.dma_semaphore, #tpu.memory_space<semaphore_mem>>)
    %dma_start3A_37 = arith.constant 80 : i32
    %dma_start3A_38 = tpu.memref_slice %arg7[%dma_start3A_37] : memref<10000xi32, #tpu.memory_space<vmem>> -> memref<80xi32, #tpu.memory_space<vmem>>
    %dma_start3A_39 = arith.constant 0 : i32
    %dma_start3A_40 = arith.constant 0 : i32
    %dma_start3A_41 = tpu.memref_slice %arg2[%dma_start3A_39, %dma_start3A_40] : memref<10240x128xf32, #tpu.memory_space<hbm>> -> memref<10240x128xf32, #tpu.memory_space<hbm>>
    tpu.enqueue_indirect_dma source(%dma_start3A_41 : memref<10240x128xf32, #tpu.memory_space<hbm>>) target(%arg10 : memref<80x128xf32, #tpu.memory_space<vmem>>) offsets(%dma_start3A_38 : memref<80xi32, #tpu.memory_space<vmem>>) semaphore(%arg13 : memref<!tpu.dma_semaphore, #tpu.memory_space<semaphore_mem>>)
    %scan3A = arith.constant 0 : i32
    %scan3A_42 = arith.constant 0 : i32
    %scan3A_43 = arith.constant 62 : i32
    %scan3A_44 = arith.addi %scan3A_42, %scan3A_43 : i32
    %scan3A_45 = arith.constant 1 : i32
    scf.for %scan3A_66 = %scan3A_42 to %scan3A_44 step %scan3A_45  : i32 {
      %mul3A_67 = arith.constant 2 : i32
      %mul3A_68 = arith.muli %scan3A_66, %mul3A_67 : i32
      %dma_wait3A_69 = arith.constant 0 : i32
      %dma_wait3A_70 = tpu.memref_slice %arg7[%dma_wait3A_69] : memref<10000xi32, #tpu.memory_space<vmem>> -> memref<80xi32, #tpu.memory_space<vmem>>
      %dma_wait3A_71 = arith.constant 0 : i32
      %dma_wait3A_72 = arith.constant 0 : i32
      %dma_wait3A_73 = tpu.memref_slice %arg2[%dma_wait3A_71, %dma_wait3A_72] : memref<10240x128xf32, #tpu.memory_space<hbm>> -> memref<10240x128xf32, #tpu.memory_space<hbm>>
      tpu.wait_indirect_dma semaphore(%arg12 : memref<!tpu.dma_semaphore, #tpu.memory_space<semaphore_mem>>) src(%dma_wait3A_73 : memref<10240x128xf32, #tpu.memory_space<hbm>>) dst(%arg9 : memref<80x128xf32, #tpu.memory_space<vmem>>)
      %add3A_74 = arith.constant 0 : i32
      %add3A_75 = arith.addi %mul3A_68, %add3A_74 : i32
      %mul3A_76 = arith.constant 80 : i32
      %mul3A_77 = arith.muli %add3A_75, %mul3A_76 : i32
      %dma_start3A_78 = tpu.memref_slice %arg8[%mul3A_77] : memref<10000xi32, #tpu.memory_space<vmem>> -> memref<80xi32, #tpu.memory_space<vmem>>
      %dma_start3A_79 = arith.constant 0 : i32
      %dma_start3A_80 = arith.constant 0 : i32
      %dma_start3A_81 = tpu.memref_slice %arg11[%dma_start3A_79, %dma_start3A_80] : memref<10240x128xf32, #tpu.memory_space<vmem_shared>> -> memref<10240x128xf32, #tpu.memory_space<vmem_shared>>
      tpu.enqueue_indirect_dma source(%arg9 : memref<80x128xf32, #tpu.memory_space<vmem>>) target(%dma_start3A_81 : memref<10240x128xf32, #tpu.memory_space<vmem_shared>>) offsets(%dma_start3A_78 : memref<80xi32, #tpu.memory_space<vmem>>) semaphore(%arg14 : memref<!tpu.dma_semaphore, #tpu.memory_space<semaphore_mem>>) {add = true}
      %dma_wait3A_82 = arith.constant 0 : i32
      %dma_wait3A_83 = tpu.memref_slice %arg7[%dma_wait3A_82] : memref<10000xi32, #tpu.memory_space<vmem>> -> memref<80xi32, #tpu.memory_space<vmem>>
      %dma_wait3A_84 = arith.constant 0 : i32
      %dma_wait3A_85 = arith.constant 0 : i32
      %dma_wait3A_86 = tpu.memref_slice %arg2[%dma_wait3A_84, %dma_wait3A_85] : memref<10240x128xf32, #tpu.memory_space<hbm>> -> memref<10240x128xf32, #tpu.memory_space<hbm>>
      tpu.wait_indirect_dma semaphore(%arg13 : memref<!tpu.dma_semaphore, #tpu.memory_space<semaphore_mem>>) src(%dma_wait3A_86 : memref<10240x128xf32, #tpu.memory_space<hbm>>) dst(%arg10 : memref<80x128xf32, #tpu.memory_space<vmem>>)
      %add3A_87 = arith.constant 1 : i32
      %add3A_88 = arith.addi %mul3A_68, %add3A_87 : i32
      %mul3A_89 = arith.constant 80 : i32
      %mul3A_90 = arith.muli %add3A_88, %mul3A_89 : i32
      %dma_start3A_91 = tpu.memref_slice %arg8[%mul3A_90] : memref<10000xi32, #tpu.memory_space<vmem>> -> memref<80xi32, #tpu.memory_space<vmem>>
      %dma_start3A_92 = arith.constant 0 : i32
      %dma_start3A_93 = arith.constant 0 : i32
      %dma_start3A_94 = tpu.memref_slice %arg11[%dma_start3A_92, %dma_start3A_93] : memref<10240x128xf32, #tpu.memory_space<vmem_shared>> -> memref<10240x128xf32, #tpu.memory_space<vmem_shared>>
      tpu.enqueue_indirect_dma source(%arg10 : memref<80x128xf32, #tpu.memory_space<vmem>>) target(%dma_start3A_94 : memref<10240x128xf32, #tpu.memory_space<vmem_shared>>) offsets(%dma_start3A_91 : memref<80xi32, #tpu.memory_space<vmem>>) semaphore(%arg15 : memref<!tpu.dma_semaphore, #tpu.memory_space<semaphore_mem>>) {add = true}
      %dma_wait3A_95 = arith.constant 0 : i32
      %dma_wait3A_96 = tpu.memref_slice %arg8[%dma_wait3A_95] : memref<10000xi32, #tpu.memory_space<vmem>> -> memref<80xi32, #tpu.memory_space<vmem>>
      %dma_wait3A_97 = arith.constant 0 : i32
      %dma_wait3A_98 = arith.constant 0 : i32
      %dma_wait3A_99 = tpu.memref_slice %arg11[%dma_wait3A_97, %dma_wait3A_98] : memref<10240x128xf32, #tpu.memory_space<vmem_shared>> -> memref<10240x128xf32, #tpu.memory_space<vmem_shared>>
      tpu.wait_indirect_dma semaphore(%arg14 : memref<!tpu.dma_semaphore, #tpu.memory_space<semaphore_mem>>) src(%arg9 : memref<80x128xf32, #tpu.memory_space<vmem>>) dst(%dma_wait3A_99 : memref<10240x128xf32, #tpu.memory_space<vmem_shared>>)
      %add3A_100 = arith.constant 0 : i32
      %add3A_101 = arith.addi %mul3A_68, %add3A_100 : i32
      %add3A_102 = arith.constant 2 : i32
      %add3A_103 = arith.addi %add3A_101, %add3A_102 : i32
      %lt3A = arith.constant 125 : i32
      %lt3A_104 = arith.cmpi slt, %add3A_103, %lt3A : i32
      %convert_element_type3A = arith.extui %lt3A_104 : i1 to i32
      %cond3A = arith.constant 0 : i32
      %cond3A_105 = arith.cmpi ne, %convert_element_type3A, %cond3A : i32
      scf.if %cond3A_105 {
        %add3A_120 = arith.constant 0 : i32
        %add3A_121 = arith.addi %mul3A_68, %add3A_120 : i32
        %add3A_122 = arith.constant 2 : i32
        %add3A_123 = arith.addi %add3A_121, %add3A_122 : i32
        %mul3A_124 = arith.constant 80 : i32
        %mul3A_125 = arith.muli %add3A_123, %mul3A_124 : i32
        %dma_start3A_126 = tpu.memref_slice %arg7[%mul3A_125] : memref<10000xi32, #tpu.memory_space<vmem>> -> memref<80xi32, #tpu.memory_space<vmem>>
        %dma_start3A_127 = arith.constant 0 : i32
        %dma_start3A_128 = arith.constant 0 : i32
        %dma_start3A_129 = tpu.memref_slice %arg2[%dma_start3A_127, %dma_start3A_128] : memref<10240x128xf32, #tpu.memory_space<hbm>> -> memref<10240x128xf32, #tpu.memory_space<hbm>>
        tpu.enqueue_indirect_dma source(%dma_start3A_129 : memref<10240x128xf32, #tpu.memory_space<hbm>>) target(%arg9 : memref<80x128xf32, #tpu.memory_space<vmem>>) offsets(%dma_start3A_126 : memref<80xi32, #tpu.memory_space<vmem>>) semaphore(%arg12 : memref<!tpu.dma_semaphore, #tpu.memory_space<semaphore_mem>>)
      } else {
      }
      %dma_wait3A_106 = arith.constant 0 : i32
      %dma_wait3A_107 = tpu.memref_slice %arg8[%dma_wait3A_106] : memref<10000xi32, #tpu.memory_space<vmem>> -> memref<80xi32, #tpu.memory_space<vmem>>
      %dma_wait3A_108 = arith.constant 0 : i32
      %dma_wait3A_109 = arith.constant 0 : i32
      %dma_wait3A_110 = tpu.memref_slice %arg11[%dma_wait3A_108, %dma_wait3A_109] : memref<10240x128xf32, #tpu.memory_space<vmem_shared>> -> memref<10240x128xf32, #tpu.memory_space<vmem_shared>>
      tpu.wait_indirect_dma semaphore(%arg15 : memref<!tpu.dma_semaphore, #tpu.memory_space<semaphore_mem>>) src(%arg10 : memref<80x128xf32, #tpu.memory_space<vmem>>) dst(%dma_wait3A_110 : memref<10240x128xf32, #tpu.memory_space<vmem_shared>>)
      %add3A_111 = arith.constant 1 : i32
      %add3A_112 = arith.addi %mul3A_68, %add3A_111 : i32
      %add3A_113 = arith.constant 2 : i32
      %add3A_114 = arith.addi %add3A_112, %add3A_113 : i32
      %lt3A_115 = arith.constant 125 : i32
      %lt3A_116 = arith.cmpi slt, %add3A_114, %lt3A_115 : i32
      %convert_element_type3A_117 = arith.extui %lt3A_116 : i1 to i32
      %cond3A_118 = arith.constant 0 : i32
      %cond3A_119 = arith.cmpi ne, %convert_element_type3A_117, %cond3A_118 : i32
      scf.if %cond3A_119 {
        %add3A_120 = arith.constant 1 : i32
        %add3A_121 = arith.addi %mul3A_68, %add3A_120 : i32
        %add3A_122 = arith.constant 2 : i32
        %add3A_123 = arith.addi %add3A_121, %add3A_122 : i32
        %mul3A_124 = arith.constant 80 : i32
        %mul3A_125 = arith.muli %add3A_123, %mul3A_124 : i32
        %dma_start3A_126 = tpu.memref_slice %arg7[%mul3A_125] : memref<10000xi32, #tpu.memory_space<vmem>> -> memref<80xi32, #tpu.memory_space<vmem>>
        %dma_start3A_127 = arith.constant 0 : i32
        %dma_start3A_128 = arith.constant 0 : i32
        %dma_start3A_129 = tpu.memref_slice %arg2[%dma_start3A_127, %dma_start3A_128] : memref<10240x128xf32, #tpu.memory_space<hbm>> -> memref<10240x128xf32, #tpu.memory_space<hbm>>
        tpu.enqueue_indirect_dma source(%dma_start3A_129 : memref<10240x128xf32, #tpu.memory_space<hbm>>) target(%arg10 : memref<80x128xf32, #tpu.memory_space<vmem>>) offsets(%dma_start3A_126 : memref<80xi32, #tpu.memory_space<vmem>>) semaphore(%arg13 : memref<!tpu.dma_semaphore, #tpu.memory_space<semaphore_mem>>)
      } else {
      }
    }
    %scan3A_46 = arith.constant 62 : i32
    %dma_wait3A = arith.constant 0 : i32
    %dma_wait3A_47 = tpu.memref_slice %arg7[%dma_wait3A] : memref<10000xi32, #tpu.memory_space<vmem>> -> memref<80xi32, #tpu.memory_space<vmem>>
    %dma_wait3A_48 = arith.constant 0 : i32
    %dma_wait3A_49 = arith.constant 0 : i32
    %dma_wait3A_50 = tpu.memref_slice %arg2[%dma_wait3A_48, %dma_wait3A_49] : memref<10240x128xf32, #tpu.memory_space<hbm>> -> memref<10240x128xf32, #tpu.memory_space<hbm>>
    tpu.wait_indirect_dma semaphore(%arg12 : memref<!tpu.dma_semaphore, #tpu.memory_space<semaphore_mem>>) src(%dma_wait3A_50 : memref<10240x128xf32, #tpu.memory_space<hbm>>) dst(%arg9 : memref<80x128xf32, #tpu.memory_space<vmem>>)
    %dma_start3A_51 = arith.constant 9920 : i32
    %dma_start3A_52 = tpu.memref_slice %arg8[%dma_start3A_51] : memref<10000xi32, #tpu.memory_space<vmem>> -> memref<80xi32, #tpu.memory_space<vmem>>
    %dma_start3A_53 = arith.constant 0 : i32
    %dma_start3A_54 = arith.constant 0 : i32
    %dma_start3A_55 = tpu.memref_slice %arg11[%dma_start3A_53, %dma_start3A_54] : memref<10240x128xf32, #tpu.memory_space<vmem_shared>> -> memref<10240x128xf32, #tpu.memory_space<vmem_shared>>
    tpu.enqueue_indirect_dma source(%arg9 : memref<80x128xf32, #tpu.memory_space<vmem>>) target(%dma_start3A_55 : memref<10240x128xf32, #tpu.memory_space<vmem_shared>>) offsets(%dma_start3A_52 : memref<80xi32, #tpu.memory_space<vmem>>) semaphore(%arg14 : memref<!tpu.dma_semaphore, #tpu.memory_space<semaphore_mem>>) {add = true}
    %dma_wait3A_56 = arith.constant 0 : i32
    %dma_wait3A_57 = tpu.memref_slice %arg8[%dma_wait3A_56] : memref<10000xi32, #tpu.memory_space<vmem>> -> memref<80xi32, #tpu.memory_space<vmem>>
    %dma_wait3A_58 = arith.constant 0 : i32
    %dma_wait3A_59 = arith.constant 0 : i32
    %dma_wait3A_60 = tpu.memref_slice %arg11[%dma_wait3A_58, %dma_wait3A_59] : memref<10240x128xf32, #tpu.memory_space<vmem_shared>> -> memref<10240x128xf32, #tpu.memory_space<vmem_shared>>
    tpu.wait_indirect_dma semaphore(%arg14 : memref<!tpu.dma_semaphore, #tpu.memory_space<semaphore_mem>>) src(%arg9 : memref<80x128xf32, #tpu.memory_space<vmem>>) dst(%dma_wait3A_60 : memref<10240x128xf32, #tpu.memory_space<vmem_shared>>)
    %barrier3A_61 = arith.constant 0 : index
    tpu.barrier barrier_id(%barrier3A_61)
    %mul3A_62 = arith.constant 640 : i32
    %mul3A_63 = arith.muli %arg1, %mul3A_62 : i32
    %mul3A_64 = arith.constant 640 : i32
    %mul3A_65 = arith.muli %arg1, %mul3A_64 : i32
    "tpu.region"() ({
      %run_scoped3A = tpu.sem_alloc : memref<!tpu.dma_semaphore, #tpu.memory_space<semaphore_mem>>
      %dma_start3A_66 = arith.constant 0 : i32
      %dma_start3A_67 = tpu.memref_slice %arg6[%arg0, %mul3A_65, %dma_start3A_66] : memref<2x10240x128xf32, #tpu.memory_space<hbm>> -> memref<1x640x128xf32, #tpu.memory_space<hbm>>
      %dma_start3A_68 = tpu.memref_squeeze %dma_start3A_67 : memref<1x640x128xf32, #tpu.memory_space<hbm>> -> memref<640x128xf32, #tpu.memory_space<hbm>>
      %dma_start3A_69 = arith.constant 0 : i32
      %dma_start3A_70 = tpu.memref_slice %arg11[%mul3A_63, %dma_start3A_69] : memref<10240x128xf32, #tpu.memory_space<vmem_shared>> -> memref<640x128xf32, #tpu.memory_space<vmem_shared>>
      tpu.enqueue_dma source(%dma_start3A_70 : memref<640x128xf32, #tpu.memory_space<vmem_shared>>) target(%dma_start3A_68 : memref<640x128xf32, #tpu.memory_space<hbm>>) target_semaphore(%run_scoped3A : memref<!tpu.dma_semaphore, #tpu.memory_space<semaphore_mem>>)
      %dma_wait3A_71 = arith.constant 0 : i32
      %dma_wait3A_72 = tpu.memref_slice %arg6[%arg0, %mul3A_65, %dma_wait3A_71] : memref<2x10240x128xf32, #tpu.memory_space<hbm>> -> memref<1x640x128xf32, #tpu.memory_space<hbm>>
      %dma_wait3A_73 = tpu.memref_squeeze %dma_wait3A_72 : memref<1x640x128xf32, #tpu.memory_space<hbm>> -> memref<640x128xf32, #tpu.memory_space<hbm>>
      %dma_wait3A_74 = arith.constant 0 : i32
      %dma_wait3A_75 = tpu.memref_slice %arg11[%mul3A_63, %dma_wait3A_74] : memref<10240x128xf32, #tpu.memory_space<vmem_shared>> -> memref<640x128xf32, #tpu.memory_space<vmem_shared>>
      tpu.wait_dma2 semaphore(%run_scoped3A : memref<!tpu.dma_semaphore, #tpu.memory_space<semaphore_mem>>) src(%dma_wait3A_75 : memref<640x128xf32, #tpu.memory_space<vmem_shared>>) dst(%dma_wait3A_73 : memref<640x128xf32, #tpu.memory_space<hbm>>)
      tpu.yield
    }) : () -> ()
    return
  }
}

module attributes {stable_mosaic.version = 14 : i64} {
  func.func @c1(%arg0: i32, %arg1: memref<2x2048x128xf32, #tpu.memory_space<vmem>>, %arg2: memref<2x2048x1xf32, #tpu.memory_space<vmem>>, %arg3: memref<2048x128xf32, #tpu.memory_space<vmem>>) attributes {dimension_semantics = [#tpu.dimension_semantics<arbitrary>], iteration_bounds = array<i64: 5>, scalar_prefetch = 0 : i64, scratch_operands = 0 : i64, tpu.core_type = #tpu.core_type<tc>, window_params = [{transform_indices = @transform_0, window_bounds = array<i64: 2, 2048, 128>}, {transform_indices = @transform_1, window_bounds = array<i64: 2, 2048, 1>}, {transform_indices = @transform_2, window_bounds = array<i64: 2048, 128>}]} {
    %get3A = arith.constant 0 : index
    %get3A_0 = arith.constant 0 : index
    %get3A_1 = arith.constant 0 : index
    %get3A_2 = vector.load %arg1[%get3A, %get3A_0, %get3A_1] : memref<2x2048x128xf32, #tpu.memory_space<vmem>>, vector<1x2048x128xf32>
    %get3A_3 = vector.shape_cast %get3A_2 : vector<1x2048x128xf32> to vector<2048x128xf32>
    %get3A_4 = arith.constant 1 : index
    %get3A_5 = arith.constant 0 : index
    %get3A_6 = arith.constant 0 : index
    %get3A_7 = vector.load %arg1[%get3A_4, %get3A_5, %get3A_6] : memref<2x2048x128xf32, #tpu.memory_space<vmem>>, vector<1x2048x128xf32>
    %get3A_8 = vector.shape_cast %get3A_7 : vector<1x2048x128xf32> to vector<2048x128xf32>
    %add3A = arith.addf %get3A_3, %get3A_8 : vector<2048x128xf32>
    %get3A_9 = arith.constant 0 : index
    %get3A_10 = arith.constant 0 : index
    %get3A_11 = arith.constant 0 : index
    %get3A_12 = vector.load %arg2[%get3A_9, %get3A_10, %get3A_11] : memref<2x2048x1xf32, #tpu.memory_space<vmem>>, vector<1x2048x1xf32>
    %get3A_13 = vector.shape_cast %get3A_12 : vector<1x2048x1xf32> to vector<2048x1xf32>
    %get3A_14 = arith.constant 1 : index
    %get3A_15 = arith.constant 0 : index
    %get3A_16 = arith.constant 0 : index
    %get3A_17 = vector.load %arg2[%get3A_14, %get3A_15, %get3A_16] : memref<2x2048x1xf32, #tpu.memory_space<vmem>>, vector<1x2048x1xf32>
    %get3A_18 = vector.shape_cast %get3A_17 : vector<1x2048x1xf32> to vector<2048x1xf32>
    %add3A_19 = arith.addf %get3A_13, %get3A_18 : vector<2048x1xf32>
    %eq3A = arith.constant 0.000000e+00 : f32
    %eq3A_20 = vector.broadcast %eq3A : f32 to vector<2048x1xf32>
    %eq3A_21 = arith.cmpf oeq, %add3A_19, %eq3A_20 : vector<2048x1xf32>
    %div3A = arith.constant 1.000000e+00 : f32
    %div3A_22 = vector.broadcast %div3A : f32 to vector<2048x1xf32>
    %div3A_23 = arith.divf %div3A_22, %add3A_19 : vector<2048x1xf32>
    %jit3A = arith.constant 0.000000e+00 : f32
    %broadcast_in_dim3A = vector.broadcast %jit3A : f32 to vector<2048x1xf32>
    %select_n3A = arith.select %eq3A_21, %broadcast_in_dim3A, %div3A_23 : vector<2048x1xi1>, vector<2048x1xf32>
    %mul3A = vector.broadcast %select_n3A : vector<2048x1xf32> to vector<2048x128xf32>
    %mul3A_24 = arith.mulf %add3A, %mul3A : vector<2048x128xf32>
    %swap3A = arith.constant 0 : index
    %swap3A_25 = arith.constant 0 : index
    %swap3A_26 = vector.load %arg3[%swap3A, %swap3A_25] : memref<2048x128xf32, #tpu.memory_space<vmem>>, vector<2048x128xf32>
    tpu.vector_store %arg3[%swap3A, %swap3A_25], %mul3A_24 {strides = array<i32>} : memref<2048x128xf32, #tpu.memory_space<vmem>>, vector<2048x128xf32>,
    return
  }
  func.func @transform_0(%arg0: i32) -> (i32, i32, i32) {
    %c0_i32 = arith.constant 0 : i32
    %c0_i32_0 = arith.constant 0 : i32
    %c0_i32_1 = arith.constant 0 : i32
    return %c0_i32, %arg0, %c0_i32_0 : i32, i32, i32
  }
  func.func @transform_1(%arg0: i32) -> (i32, i32, i32) {
    %c0_i32 = arith.constant 0 : i32
    %c0_i32_0 = arith.constant 0 : i32
    %c0_i32_1 = arith.constant 0 : i32
    return %c0_i32, %arg0, %c0_i32_0 : i32, i32, i32
  }
  func.func @transform_2(%arg0: i32) -> (i32, i32) {
    %c0_i32 = arith.constant 0 : i32
    %c0_i32_0 = arith.constant 0 : i32
    return %arg0, %c0_i32 : i32, i32
  }
}

module attributes {stable_mosaic.version = 14 : i64} {
  func.func @c2(%arg0: i32, %arg1: memref<2x2000x128xf32, #tpu.memory_space<vmem>>, %arg2: memref<2x2000x1xf32, #tpu.memory_space<vmem>>, %arg3: memref<128x128xf32, #tpu.memory_space<vmem>>, %arg4: memref<1x128xf32, #tpu.memory_space<vmem>>, %arg5: memref<2000x128xf32, #tpu.memory_space<vmem>>) attributes {dimension_semantics = [#tpu.dimension_semantics<arbitrary>], iteration_bounds = array<i64: 5>, scalar_prefetch = 0 : i64, scratch_operands = 0 : i64, tpu.core_type = #tpu.core_type<tc>, window_params = [{transform_indices = @transform_0, window_bounds = array<i64: 2, 2000, 128>}, {transform_indices = @transform_1, window_bounds = array<i64: 2, 2000, 1>}, {pipeline_mode = #tpu.pipeline_mode<synchronous>, transform_indices = @transform_2, window_bounds = array<i64: 128, 128>}, {pipeline_mode = #tpu.pipeline_mode<synchronous>, transform_indices = @transform_3, window_bounds = array<i64: 1, 128>}, {transform_indices = @transform_4, window_bounds = array<i64: 2000, 128>}]} {
    %get3A = arith.constant 0 : index
    %get3A_0 = arith.constant 0 : index
    %get3A_1 = arith.constant 0 : index
    %get3A_2 = vector.load %arg1[%get3A, %get3A_0, %get3A_1] : memref<2x2000x128xf32, #tpu.memory_space<vmem>>, vector<1x2000x128xf32>
    %get3A_3 = vector.shape_cast %get3A_2 : vector<1x2000x128xf32> to vector<2000x128xf32>
    %get3A_4 = arith.constant 1 : index
    %get3A_5 = arith.constant 0 : index
    %get3A_6 = arith.constant 0 : index
    %get3A_7 = vector.load %arg1[%get3A_4, %get3A_5, %get3A_6] : memref<2x2000x128xf32, #tpu.memory_space<vmem>>, vector<1x2000x128xf32>
    %get3A_8 = vector.shape_cast %get3A_7 : vector<1x2000x128xf32> to vector<2000x128xf32>
    %add3A = arith.addf %get3A_3, %get3A_8 : vector<2000x128xf32>
    %get3A_9 = arith.constant 0 : index
    %get3A_10 = arith.constant 0 : index
    %get3A_11 = arith.constant 0 : index
    %get3A_12 = vector.load %arg2[%get3A_9, %get3A_10, %get3A_11] : memref<2x2000x1xf32, #tpu.memory_space<vmem>>, vector<1x2000x1xf32>
    %get3A_13 = vector.shape_cast %get3A_12 : vector<1x2000x1xf32> to vector<2000x1xf32>
    %get3A_14 = arith.constant 1 : index
    %get3A_15 = arith.constant 0 : index
    %get3A_16 = arith.constant 0 : index
    %get3A_17 = vector.load %arg2[%get3A_14, %get3A_15, %get3A_16] : memref<2x2000x1xf32, #tpu.memory_space<vmem>>, vector<1x2000x1xf32>
    %get3A_18 = vector.shape_cast %get3A_17 : vector<1x2000x1xf32> to vector<2000x1xf32>
    %add3A_19 = arith.addf %get3A_13, %get3A_18 : vector<2000x1xf32>
    %eq3A = arith.constant 0.000000e+00 : f32
    %eq3A_20 = vector.broadcast %eq3A : f32 to vector<2000x1xf32>
    %eq3A_21 = arith.cmpf oeq, %add3A_19, %eq3A_20 : vector<2000x1xf32>
    %div3A = arith.constant 1.000000e+00 : f32
    %div3A_22 = vector.broadcast %div3A : f32 to vector<2000x1xf32>
    %div3A_23 = arith.divf %div3A_22, %add3A_19 : vector<2000x1xf32>
    %jit3A = arith.constant 0.000000e+00 : f32
    %broadcast_in_dim3A = vector.broadcast %jit3A : f32 to vector<2000x1xf32>
    %select_n3A = arith.select %eq3A_21, %broadcast_in_dim3A, %div3A_23 : vector<2000x1xi1>, vector<2000x1xf32>
    %mul3A = vector.broadcast %select_n3A : vector<2000x1xf32> to vector<2000x128xf32>
    %mul3A_24 = arith.mulf %add3A, %mul3A : vector<2000x128xf32>
    %get3A_25 = arith.constant 0 : index
    %get3A_26 = arith.constant 0 : index
    %get3A_27 = vector.load %arg3[%get3A_25, %get3A_26] : memref<128x128xf32, #tpu.memory_space<vmem>>, vector<128x128xf32>
    %dot_general3A = arith.constant dense<0.000000e+00> : vector<2000x128xf32>
    %dot_general3A_28 = tpu.matmul %mul3A_24, %get3A_27, %dot_general3A {dimension_numbers = #tpu.dot_dimension_numbers<[1], [0], [0], [1], [0, 0, 1, 1], [], []>, transpose_lhs_hint = false} : vector<2000x128xf32>, vector<128x128xf32>, vector<2000x128xf32> -> vector<2000x128xf32>
    %get3A_29 = arith.constant 0 : index
    %get3A_30 = arith.constant 0 : index
    %get3A_31 = vector.load %arg4[%get3A_29, %get3A_30] : memref<1x128xf32, #tpu.memory_space<vmem>>, vector<1x128xf32>
    %add3A_32 = vector.broadcast %get3A_31 : vector<1x128xf32> to vector<2000x128xf32>
    %add3A_33 = arith.addf %dot_general3A_28, %add3A_32 : vector<2000x128xf32>
    %ge3A = arith.constant 0.000000e+00 : f32
    %ge3A_34 = vector.broadcast %ge3A : f32 to vector<2000x128xf32>
    %ge3A_35 = arith.cmpf oge, %add3A_33, %ge3A_34 : vector<2000x128xf32>
    %mul3A_36 = arith.constant 0.00999999977 : f32
    %mul3A_37 = vector.broadcast %mul3A_36 : f32 to vector<2000x128xf32>
    %mul3A_38 = arith.mulf %mul3A_37, %add3A_33 : vector<2000x128xf32>
    %select_n3A_39 = arith.select %ge3A_35, %add3A_33, %mul3A_38 : vector<2000x128xi1>, vector<2000x128xf32>
    %swap3A = arith.constant 0 : index
    %swap3A_40 = arith.constant 0 : index
    %swap3A_41 = vector.load %arg5[%swap3A, %swap3A_40] : memref<2000x128xf32, #tpu.memory_space<vmem>>, vector<2000x128xf32>
    tpu.vector_store %arg5[%swap3A, %swap3A_40], %select_n3A_39 {strides = array<i32>} : memref<2000x128xf32, #tpu.memory_space<vmem>>, vector<2000x128xf32>,
    return
  }
  func.func @transform_0(%arg0: i32) -> (i32, i32, i32) {
    %c0_i32 = arith.constant 0 : i32
    %c0_i32_0 = arith.constant 0 : i32
    %c0_i32_1 = arith.constant 0 : i32
    return %c0_i32, %arg0, %c0_i32_0 : i32, i32, i32
  }
  func.func @transform_1(%arg0: i32) -> (i32, i32, i32) {
    %c0_i32 = arith.constant 0 : i32
    %c0_i32_0 = arith.constant 0 : i32
    %c0_i32_1 = arith.constant 0 : i32
    return %c0_i32, %arg0, %c0_i32_0 : i32, i32, i32
  }
  func.func @transform_2(%arg0: i32) -> (i32, i32) {
    %c0_i32 = arith.constant 0 : i32
    %c0_i32_0 = arith.constant 0 : i32
    %c0_i32_1 = arith.constant 0 : i32
    return %c0_i32, %c0_i32_0 : i32, i32
  }
  func.func @transform_3(%arg0: i32) -> (i32, i32) {
    %c0_i32 = arith.constant 0 : i32
    %c0_i32_0 = arith.constant 0 : i32
    %c0_i32_1 = arith.constant 0 : i32
    return %c0_i32, %c0_i32_0 : i32, i32
  }
  func.func @transform_4(%arg0: i32) -> (i32, i32) {
    %c0_i32 = arith.constant 0 : i32
    %c0_i32_0 = arith.constant 0 : i32
    return %arg0, %c0_i32 : i32, i32
  }
}

</mosaic_0001>

<sc_bundles>
// kernel: kernel.6.cloned.1.call-start
scs
__scs_entry_jumppad:
0x0: {  	(pc) =	sbr.rel $0x88, $3  }
0x1: {  	(tag) =	ssettag $0x0;
	lr =	simm.s32 $0x1  }
0x2: {  	[smem:$0x3F9D] =	sst lr;
	_ =	strace $0xD0000000  }
0x3: {  	_ = 	snop  }
0x4: {  	_ = 	snop  }
0x5: {  	_ = 	snop  }
0x6: {  	_ = 	snop  }
0x7: {  	_ = 	snop  }
__scs_overlays_trampoline_lowered:
0x8: {  	[smem:$0x3FAC] =	sst s0  }
0x9: {  	[smem:$0x3FAD] =	sst s1  }
0xa: {  	[smem:$0x3FAE] =	sst s2  }
0xb: {  	[smem:$0x3FAF] =	sst s3  }
0xc: {  	[smem:$0x3FB0] =	sst s4  }
0xd: {  	[smem:$0x3FB1] =	sst s5  }
0xe: {  	[smem:$0x3FB2] =	sst s6  }
0xf: {  	[smem:$0x3FB3] =	sst s7  }
0x10: {  	[smem:$0x3FB4] =	sst s8  }
0x11: {  	[smem:$0x3FB5] =	sst s9;
	s0 =	simm.s32 @!p0 $0x0  }
0x12: {  	s1 =	sld [smem:$0x3F9B];
	s0 =	simm.s32 @p0 $0x1  }
0x13: {  	[smem:$0x3FB6] =	sst s0;
	s0 =	simm.s32 @!p1 $0x0  }
0x14: {  	s2 =	sld [smem:$0x3F9A];
	s0 =	simm.s32 @p1 $0x1  }
0x15: {  	[smem:$0x3FB7] =	sst s0;
	s0 =	simm.s32 @!p2 $0x0  }
0x16: {  	s3 =	sld [smem:$0x3FDB];
	s0 =	simm.s32 @p2 $0x1  }
0x17: {  	s4 =	simm.s32 $0x1BF5;
	[smem:$0x3FB9] =	sst s0  }
0x18: {  	s0 =	sld [smem:$0x3F9C];
	_ =	swait.ge [sflag:s4], $0x0  }
0x19: {  	s7 =	sld [smem:$0x3F9D]  }
0x1a: {  	s8 =	sadd.s32 $0xFFFFE003, lr  }
0x1b: {  	s9 =	sadd.s32 $0xFFFFFEF7, lr;
	s5 =	simm.s32 $0xFFFFFFFF;
	p2 =	slt.u32 s8, $0xFFFFF086  }
0x1c: {  	p1 =	slt.u32 s9, $0xF7A;
	s5 =	simm.s32 @!p2 $0x0  }
0x1d: {  	s5 =	simm.s32 @p1 $0x1;
	p0 =	seq.s32 s7, s2  }
0x1e: {  	s7 =	smul.u32 @!p0 $0xF7A, s2;
	p2 =	seq.s32 @!p0 s5, $0x0  }
0x1f: {  	s9 =	smul.u32 $0xF7A, s1;
	s8 =	simm.s32 @!p0 $0x1BF5;
	p2 =	por !p2, p0  }
0x20: {  	[sflag:s8] =	ssyncset.s32 @!p0 $0xFFFFF086;
	s6 =	sadd.s32 @!p0 s3, s7;
	s7 =	simm.s32 @!p0 $0x108  }
0x21: {  	s3 =	sadd.s32 s3, s9;
	s6 =	sadd.s32 @!p0 $0x88, s6;
	s7 =	simm.s32 @p2 $0x1082  }
0x22: {  	[simem:s7], [sflag:s8] =	dma.local @!p0 [hbm:s6], $0xF7A  }
0x23: {  	s9 =	sor.u32 $0xD0000000, s2;
	s6 =	simm.s32 $0x108;
	_ =	swait.ge @!p0 [sflag:s8], $0x0  }
0x24: {  	s3 =	sadd.s32 $0x88, s3;
	s6 =	simm.s32 @!p1 $0x1082;
	[sflag:s4] =	ssyncset.s32 $0xFFFFF086  }
0x25: {  	[simem:s6], [sflag:s4] =	dma.local [hbm:s3], $0xF7A  }
0x26: {  	[smem:$0x3F9D] =	sst s1;
	(tag) =	ssettag s2;
	_ =	strace s9  }
0x27: {  	s1 =	sld [smem:$0x3FAD]  }
0x28: {  	s2 =	sld [smem:$0x3FAE]  }
0x29: {  	s4 =	sld [smem:$0x3FB0]  }
0x2a: {  	p0 =	seq.s32 s5, $0x0;
	s5 =	sld [smem:$0x3FB1]  }
0x2b: {  	s6 =	sld [smem:$0x3FB2]  }
0x2c: {  	s7 =	sld [smem:$0x3FB3]  }
0x2d: {  	s3 =	simm.s32 $0x108;
	s8 =	sld [smem:$0x3FB4]  }
0x2e: {  	s3 =	simm.s32 @!p0 $0x1082;
	s9 =	sld [smem:$0x3FB5]  }
0x2f: {  	lr =	sadd.s32 s0, s3;
	s0 =	sld [smem:$0x3FAC]  }
0x30: {  	s3 =	sld [smem:$0x3FAF]  }
0x31: {  	[smem:$0x3FB8] =	sst s10  }
0x32: {  	s10 =	sld [smem:$0x3FB6];
	_ =	sdelay $0x3  }
0x33: {  	p0 =	seq.s32 s10, $0x1;
	s10 =	sld [smem:$0x3FB8];
	_ =	sdelay $0x3  }
0x34: {  	[smem:$0x3FB8] =	sst s10  }
0x35: {  	s10 =	sld [smem:$0x3FB7];
	_ =	sdelay $0x3  }
0x36: {  	p1 =	seq.s32 s10, $0x1;
	s10 =	sld [smem:$0x3FB8];
	_ =	sdelay $0x3  }
0x37: {  	[smem:$0x3FB8] =	sst s10  }
0x38: {  	s10 =	sld [smem:$0x3FB9]  }
0x39: {  	_ = 	snop;
	(pc) =	sbr.ind lr, $3  }
0x3a: {  	_ = 	snop  }
0x3b: {  	_ = 	snop  }
0x3c: {  	p2 =	seq.s32 s10, $0x1;
	s10 =	sld [smem:$0x3FB8]  }
0x3d: {  	_ =	shalt  }
0x3e: {  	_ =	shalt  }
0x3f: {  	_ =	shalt  }
0x40: {  	_ =	shalt  }
0x41: {  	_ =	shalt  }
0x42: {  	_ =	shalt  }
0x43: {  	_ =	shalt  }
0x44: {  	_ =	shalt  }
0x45: {  	_ =	shalt  }
0x46: {  	_ =	shalt  }
0x47: {  	_ =	shalt  }
0x48: {  	_ =	shalt  }
0x49: {  	_ =	shalt  }
0x4a: {  	_ =	shalt  }
0x4b: {  	_ =	shalt  }
0x4c: {  	_ =	shalt  }
0x4d: {  	_ =	shalt  }
0x4e: {  	_ =	shalt  }
0x4f: {  	_ =	shalt  }
0x50: {  	_ =	shalt  }
0x51: {  	_ =	shalt  }
0x52: {  	_ =	shalt  }
0x53: {  	_ =	shalt  }
0x54: {  	_ =	shalt  }
0x55: {  	_ =	shalt  }
0x56: {  	_ =	shalt  }
0x57: {  	_ =	shalt  }
0x58: {  	_ =	shalt  }
0x59: {  	_ =	shalt  }
0x5a: {  	_ =	shalt  }
0x5b: {  	_ =	shalt  }
0x5c: {  	_ =	shalt  }
0x5d: {  	_ =	shalt  }
0x5e: {  	_ =	shalt  }
0x5f: {  	_ =	shalt  }
0x60: {  	_ =	shalt  }
0x61: {  	_ =	shalt  }
0x62: {  	_ =	shalt  }
0x63: {  	_ =	shalt  }
0x64: {  	_ =	shalt  }
0x65: {  	_ =	shalt  }
0x66: {  	_ =	shalt  }
0x67: {  	_ =	shalt  }
0x68: {  	_ =	shalt  }
0x69: {  	_ =	shalt  }
0x6a: {  	_ =	shalt  }
0x6b: {  	_ =	shalt  }
0x6c: {  	_ =	shalt  }
0x6d: {  	_ =	shalt  }
0x6e: {  	_ =	shalt  }
0x6f: {  	_ =	shalt  }
0x70: {  	_ =	shalt  }
0x71: {  	_ =	shalt  }
0x72: {  	_ =	shalt  }
0x73: {  	_ =	shalt  }
0x74: {  	_ =	shalt  }
0x75: {  	_ =	shalt  }
0x76: {  	_ =	shalt  }
0x77: {  	_ =	shalt  }
0x78: {  	_ =	shalt  }
0x79: {  	_ =	shalt  }
0x7a: {  	_ =	shalt  }
0x7b: {  	_ =	shalt  }
0x7c: {  	_ =	shalt  }
0x7d: {  	_ =	shalt  }
0x7e: {  	_ =	shalt  }
0x7f: {  	_ =	shalt  }
0x80: {  	_ =	shalt  }
0x81: {  	_ =	shalt  }
0x82: {  	_ =	shalt  }
0x83: {  	_ =	shalt  }
0x84: {  	_ =	shalt  }
0x85: {  	_ =	shalt  }
0x86: {  	_ =	shalt  }
0x87: {  	_ =	shalt  }
.Lfunc_end0:
.L_simem_size_0:
called_computation_lowered:
.L_overlay_start_0:
0x88: {  	s2 =	sld [smem:$0x3FD9]  }
0x89: {  	s3 =	sld [smem:$0x3FFE];
	_ =	sdelay $0x1  }
0x8a: {  	s1 =	srdreg.scid  }
0x8b: {  	s0 =	sand.u32 $0x1, s1  }
0x8c: {  	s17 =	sshll.u32 s0, $0xA;
	s2 =	sadd.s32 s3, s2  }
0x8d: {  	s2 =	sadd.s32 s2, s17  }
0x8e: {  	[smem:$0x3FC4] =	sst s2  }
0x8f: {  	_ = 	snop  }
0x90: {  	s2 =	sld [smem:$0x3FC9]  }
0x91: {  	s18 =	sld [smem:$0x3FD0];
	(tm) =	ssettm $0x1  }
0x92: {  	s4 =	sld [smem:$0x3FFB];
	_ =	sdelay $0x3  }
0x93: {  	_ =	strace s4  }
0x94: {  	s4 =	sld [smem:$0x3FFC];
	_ =	sdelay $0x3  }
0x95: {  	_ =	strace s4  }
0x96: {  	s4 =	sld [smem:$0x3FFD];
	_ =	sdelay $0x3  }
0x97: {  	_ =	strace s4  }
0x98: {  	_ =	strace $0x8FFFFFFF  }
0x99: {  	s19 =	sld [smem:$0x3FDB];
	_ =	sdelay $0x1  }
0x9a: {  	s5 =	simm.s32 $_scs_section_size  }
0x9b: {  	s6 =	simm.s32 $_size__tile_overlayer_lowered;
	s7 =	simm.s32 $_tile_overlayer_lowered  }
0x9c: {  	s22 =	simm.s32 $0x1BFF;
	s21 =	sshll.u32 s7, $0x1;
	s4 =	sadd.s32 s5, s19  }
0x9d: {  	s8 =	simm.s32 $0x0;
	s20 =	sshll.u32 s6, $0x1;
	s6 =	sadd.s32 s21, s4  }
0x9e: {  	[timem:s8], [sflag:s22] =	dma.local [hbm:s6], s20  }
0x9f: {  	_ =	swait.ge [sflag:s22], s20  }
0xa0: {  	s5 =	ssub.s32 $0x0, s20;
	[sflag:s22] =	ssyncset.done $0x0  }
0xa1: {  	[sflag:s22] =	ssyncadd.s32 s5;
	_ =	sdelay $0x1  }
0xa2: {  	s23 =	simm.s32 $0x1B8B  }
0xa3: {  	_ =	swait.ge [sflag:s23], $0x1  }
0xa4: {  	[sflag:s23] =	ssyncset.done $0x0  }
0xa5: {  	s25 =	simm.s32 $0x1B8E;
	s24 =	sld [smem:$0x3FFE];
	[sflag:s23] =	ssyncadd.s32 $0xFFFFFFFF  }
0xa6: {  	s26 =	simm.s32 $execute0_lowered;
	[smem:$0x3FD2] =	sst s25  }
0xa7: {  	s6 =	sshll.u32 s26, $0x1;
	_ =	strace $0x80000046;
	[dreg:$0x1] =	wrdreg $0xFFFFFFFF  }
0xa8: {  	s28 =	simm.s32 $_size_execute0_lowered;
	s4 =	sadd.s32 s4, s6;
	[dreg:$0x0] =	wrdreg $0x0  }
0xa9: {  	s6 =	sshll.u32 s28, $0x1;
	[dreg:$0x2] =	wrdreg s4  }
0xaa: {  	[dreg:$0x3] =	wrdreg s6  }
0xab: {  	[dreg:$0x4] =	wrdreg $0xC0  }
0xac: {  	_ =	task [dreg:s8], $0x5FFFF  }
0xad: {  	[dreg:$0x1] =	wrdreg $0xFFFFFFFF  }
0xae: {  	[dreg:$0x0] =	wrdreg $0x60  }
0xaf: {  	[dreg:$0x2] =	wrdreg s2  }
0xb0: {  	[dreg:$0x3] =	wrdreg s18  }
0xb1: {  	[dreg:$0x4] =	wrdreg s24  }
0xb2: {  	[dreg:$0x5] =	wrdreg $0x9F800  }
0xb3: {  	[dreg:$0x6] =	wrdreg $0x1DF800  }
0xb4: {  	[dreg:$0x7] =	wrdreg $0x1E2000  }
0xb5: {  	[dreg:$0x8] =	wrdreg $0x9  }
0xb6: {  	_ =	task.clear_ibuf [dreg:s8], $0x9FFFF;
	_ =	strace $0x90000046  }
0xb7: {  	s29 =	simm.s32 $0x9;
	_ =	strace $0x80000048  }
0xb8: {  	_ =	swait.ge [sflag:s29], $0x1  }
0xb9: {  	[sflag:s29] =	ssyncadd.s32 $0xFFFFFFFF  }
0xba: {  	_ =	strace $0x90000048  }
0xbb: {  	_ =	sfence  }
0xbc: {  	s30 =	sld [smem:$0x0];
	_ =	sdelay $0x2  }
0xbd: {  	s31 =	sshll.u32 s1, $0xD;
	s1 =	sshrl.u32 s1, $0x2  }
0xbe: {  	s3 =	sand.u32 $0x4000, s31;
	s1 =	sadd.s32 s1, s30  }
0xbf: {  	s0 =	sor.u32 s3, s0;
	s1 =	sshll.u32 s1, $0x11  }
0xc0: {  	s0 =	sor.u32 s1, s0  }
0xc1: {  	s0 =	sadd.s32 $0x8F2B, s0  }
0xc2: {  	[sflag:s0] =	ssyncadd.remote.s32 $0x1  }
0xc3: {  	_ =	sfence.sel $0xFFFF  }
0xc4: {  	[dreg:$0x0] =	wrdreg $0xFFFFFFFF;
	(pc) =	sbr.abs _section_cstart, $3  }
0xc5: {  	[dreg:$0x1] =	wrdreg $0xFFFFFFFF  }
0xc6: {  	_ =	task.clear_ibuf [dreg:s8], $0x2FFFF;
	_ =	strace $0x9FFFFFFF  }
0xc7: {  	(tm) =	ssettm $0x7FFFFFFF  }
tec
execute0_lowered:
.L_overlay_start_1:
0x0: {  	(tag) =	ssettag $0x1  }
0x1: {  	s1 =	rddreg [dreg:$0x0]  }
0x2: {  	s0 =	rddreg [dreg:$0x1]  }
0x3: {  	s4 =	rddreg [dreg:$0x2]  }
0x4: {  	s2 =	rddreg [dreg:$0x3];
	s16 =	stileid.u32  }
0x5: {  	s3 =	rddreg [dreg:$0x4];
	s6 =	srdreg.scid;
	s29 =	simm.s32 $0x5  }
0x6: {  	s31 =	simm.s32 $0x4F00;
	s30 =	simm.s32 $0x50;
	s11 =	smul.u32 $0x280, s16  }
0x7: {  	s5 =	sshrl.u32 s16, $0x2;
	s8 =	sshll.u32 s16, $0x8;
	s13 =	smul.u32 $0x14000, s16  }
0x8: {  	s9 =	sand.u32 $0x1, s6;
	s6 =	simm.s32 $0x0;
	s15 =	smul.u32 $0x500, s16  }
0x9: {  	s14 =	sadd.s32 $0xB000, s4;
	s17 =	sadd.s32 $0xAE00, s4;
	s24 =	smul.u32 $0x50000, s16  }
0xa: {  	s7 =	smul.u32 $0x13C00, s5;
	s5 =	rddreg [dreg:$0x5];
	s21 =	sand.u32 $0x300, s8  }
0xb: {  	s22 =	sshll.u32 s9, $0x7;
	[smem:$0x7FF] =	sst s6;
	s10 =	smul.u32 $0x140000, s9  }
0xc: {  	s9 =	ssub.s32 $0x2, s9;
	_ =	strace $0x80000047;
	[dreg:$0x7] =	wrdreg s14  }
0xd: {  	s23 =	sshrl.u32 s11, $0x3;
	[dreg:$0x8] =	wrdreg s17;
	s8 =	sor.u32 s22, s15  }
0xe: {  	s26 =	sshrl.u32 s9, $0x1;
	s28 =	sshrl.u32 s24, $0x2;
	s24 =	sadd.s32 s11, s5  }
0xf: {  	s7 =	sor.u32 s7, s21;
	s14 =	sadd.s32 s23, s4;
	s10 =	sadd.s32 s13, s10  }
0x10: {  	s23 =	sadd.s32 s11, s3;
	[dreg:$0x13] =	wrdreg s24;
	s7 =	sor.u32 s22, s7  }
0x11: {  	s10 =	sshrl.u32 s10, $0x3;
	[dreg:$0x12] =	wrdreg s23;
	s7 =	sshrl.u32 s7, $0x3  }
0x12: {  	s25 =	sadd.s32 s10, s4;
	s10 =	sadd.s32 s28, s2;
	s0 =	sadd.s32 s0, s7  }
0x13: {  	s15 =	simm.s32 $0x4E40;
	s16 =	sadd.s32 $0x2800, s10;
	[dreg:$0x9] =	wrdreg s0  }
0x14: {  	s8 =	sshrl.u32 s8, $0x3;
	s17 =	sadd.s32 $0x5000, s10;
	[dreg:$0xb] =	wrdreg s16  }
0x15: {  	s11 =	simm.s32 $0x4;
	s18 =	sadd.s32 $0x7800, s10;
	[dreg:$0xc] =	wrdreg s17  }
0x16: {  	s12 =	sadd.s32 s7, s4;
	s19 =	sadd.s32 $0xA000, s10;
	[dreg:$0xd] =	wrdreg s18  }
0x17: {  	s4 =	sadd.s32 s8, s4;
	s20 =	sadd.s32 $0xC800, s10;
	[dreg:$0xe] =	wrdreg s19  }
0x18: {  	s8 =	ssub.s32 s9, s26;
	s21 =	sadd.s32 $0xF000, s10;
	[dreg:$0xf] =	wrdreg s20  }
0x19: {  	s22 =	sadd.s32 $0x11800, s10;
	s25 =	sadd.s32 $0xC600, s25;
	[dreg:$0x10] =	wrdreg s21  }
0x1a: {  	s7 =	simm.s32 $0x1;
	s9 =	simm.s32 $0x3;
	[dreg:$0x11] =	wrdreg s22  }
0x1b: {  	s13 =	sadd.s32 $0x1000, s12;
	s20 =	sadd.s32 $0xB600, s14;
	[dreg:$0x14] =	wrdreg s25  }
0x1c: {  	s26 =	sadd.s32 $0x5C600, s4;
	s28 =	sadd.s32 $0xBC00, s4;
	s25 =	smax.u32 s8, $0x1  }
0x1d: {  	s4 =	simm.s32 $0x9F00;
	s0 =	simm.s32 $0x7700;
	s8 =	simm.s32 $0x2  }
0x1e: {  	s12 =	simm.s32 $0x4DA0;
	s14 =	simm.s32 $0x26C0;
	[dreg:$0xa] =	wrdreg s13  }
0x1f: {  	s16 =	simm.s32 $0x20;
	s17 =	simm.s32 $0x10;
	[dreg:$0x15] =	wrdreg s26  }
0x20: {  	s18 =	simm.s32 $0x0;
	[dreg:$0x16] =	wrdreg s28;
	s13 =	simm.s32 $0x4DF0  }
.LBB2_1:
0x21: {  	s19 =	rddreg [dreg:$0x9];
	s21 =	simm.s32 $0x80;
	s22 =	simm.s32 $0x400  }
0x22: {  	[tilespmem:s6], [sflag:$0x5] =	stream.strided.gather [hbm4b:s19+s21], $0x2780, s22, s21, $0x38;
	[tilespmem:$0x1E480] =	vst v63  }
0x23: {  	_ =	swait.ge [sflag:s29], $0x2780  }
0x24: {  	[sflag:s29] =	ssyncset.done $0x0  }
0x25: {  	s23 =	simm.s32 $0x2780;
	s26 =	rddreg [dreg:$0xa];
	[sflag:s29] =	ssyncadd.s32 $0xFFFFD880  }
0x26: {  	[tilespmem:s23], [sflag:$0x5] =	stream.strided.gather [hbm4b:s26+s21], $0x2780, s22, s21, $0x38;
	[tilespmem:$0x1E480] =	vst v63  }
0x27: {  	_ =	swait.ge [sflag:s29], $0x2780  }
0x28: {  	[sflag:s29] =	ssyncset.done $0x0  }
0x29: {  	s22 =	rddreg [dreg:$0x7];
	[sflag:s29] =	ssyncadd.s32 $0xFFFFD880  }
0x2a: {  	[tilespmem:s31], [sflag:$0x5] =	stream.linear.gather [hbm4b:s22+s6], $0x2800, $0x38;
	[tilespmem:$0x1E480] =	vst v63  }
0x2b: {  	_ =	swait.ge [sflag:s29], $0x2800  }
0x2c: {  	[sflag:s29] =	ssyncset.done $0x0  }
0x2d: {  	[sflag:s29] =	ssyncadd.s32 $0xFFFFD800  }
0x2e: {  	[spmem:s10] =	stream.linear.scatter [tilespmem:s31], [sflag:$0x5], $0x2800, $0x38;
	[tilespmem:$0x1E480] =	vst v63  }
0x2f: {  	_ =	swait.ge [sflag:s29], $0x2800  }
0x30: {  	[sflag:s29] =	ssyncset.done $0x0  }
0x31: {  	s23 =	rddreg [dreg:$0xb];
	[sflag:s29] =	ssyncadd.s32 $0xFFFFD800  }
0x32: {  	[spmem:s23] =	stream.linear.scatter [tilespmem:s31], [sflag:$0x5], $0x2800, $0x38;
	[tilespmem:$0x1E480] =	vst v63  }
0x33: {  	_ =	swait.ge [sflag:s29], $0x2800  }
0x34: {  	[sflag:s29] =	ssyncset.done $0x0  }
0x35: {  	s24 =	rddreg [dreg:$0xc];
	[sflag:s29] =	ssyncadd.s32 $0xFFFFD800  }
0x36: {  	[spmem:s24] =	stream.linear.scatter [tilespmem:s31], [sflag:$0x5], $0x2800, $0x38;
	[tilespmem:$0x1E480] =	vst v63  }
0x37: {  	_ =	swait.ge [sflag:s29], $0x2800  }
0x38: {  	[sflag:s29] =	ssyncset.done $0x0  }
0x39: {  	s26 =	rddreg [dreg:$0xd];
	[sflag:s29] =	ssyncadd.s32 $0xFFFFD800  }
0x3a: {  	[spmem:s26] =	stream.linear.scatter [tilespmem:s31], [sflag:$0x5], $0x2800, $0x38;
	[tilespmem:$0x1E480] =	vst v63  }
0x3b: {  	_ =	swait.ge [sflag:s29], $0x2800  }
0x3c: {  	[sflag:s29] =	ssyncset.done $0x0  }
0x3d: {  	s21 =	rddreg [dreg:$0xe];
	[sflag:s29] =	ssyncadd.s32 $0xFFFFD800  }
0x3e: {  	[spmem:s21] =	stream.linear.scatter [tilespmem:s31], [sflag:$0x5], $0x2800, $0x38;
	[tilespmem:$0x1E480] =	vst v63  }
0x3f: {  	_ =	swait.ge [sflag:s29], $0x2800  }
0x40: {  	[sflag:s29] =	ssyncset.done $0x0  }
0x41: {  	s22 =	rddreg [dreg:$0xf];
	[sflag:s29] =	ssyncadd.s32 $0xFFFFD800  }
0x42: {  	[spmem:s22] =	stream.linear.scatter [tilespmem:s31], [sflag:$0x5], $0x2800, $0x38;
	[tilespmem:$0x1E480] =	vst v63  }
0x43: {  	_ =	swait.ge [sflag:s29], $0x2800  }
0x44: {  	[sflag:s29] =	ssyncset.done $0x0  }
0x45: {  	s23 =	rddreg [dreg:$0x10];
	[sflag:s29] =	ssyncadd.s32 $0xFFFFD800  }
0x46: {  	[spmem:s23] =	stream.linear.scatter [tilespmem:s31], [sflag:$0x5], $0x2800, $0x38;
	[tilespmem:$0x1E480] =	vst v63  }
0x47: {  	_ =	swait.ge [sflag:s29], $0x2800  }
0x48: {  	[sflag:s29] =	ssyncset.done $0x0  }
0x49: {  	s24 =	rddreg [dreg:$0x11];
	[sflag:s29] =	ssyncadd.s32 $0xFFFFD800  }
0x4a: {  	[spmem:s24] =	stream.linear.scatter [tilespmem:s31], [sflag:$0x5], $0x2800, $0x38;
	[tilespmem:$0x1E480] =	vst v63  }
0x4b: {  	_ =	swait.ge [sflag:s29], $0x2800  }
0x4c: {  	[sflag:s29] =	ssyncset.done $0x0  }
0x4d: {  	s26 =	rddreg [dreg:$0x8];
	[sflag:s29] =	ssyncadd.s32 $0xFFFFD800  }
0x4e: {  	[tilespmem:s4], [sflag:$0x5] =	stream.linear.gather [hbm4b:s26+s6], $0x80, $0x38;
	[tilespmem:$0x1E480] =	vst v63  }
0x4f: {  	s21 =	stileid.u32;
	_ =	swait.ge [sflag:s29], $0x80  }
0x50: {  	s19 =	sshll.u32 s21, $0x6;
	[sflag:s29] =	ssyncset.done $0x0;
	s22 =	rddreg [dreg:$0x12]  }
0x51: {  	s19 =	sor.u32 $0x1C05, s19;
	[sflag:s29] =	ssyncadd.s32 $0xFFFFFF80;
	s21 =	sshrl.u32 s22, $0x3  }
0x52: {  	[spmem:s21], [sflag:s19] =	dma.local [hbm:s20], $0x50  }
0x53: {  	_ =	swait.ge [sflag:s29], $0x50  }
0x54: {  	[sflag:s29] =	ssyncset.done $0x0;
	s23 =	rddreg [dreg:$0x13]  }
0x55: {  	[sflag:s29] =	ssyncadd.s32 $0xFFFFFFB0;
	s26 =	sshrl.u32 s23, $0x3  }
0x56: {  	[spmem:s26], [sflag:s19] =	dma.local [hbm:s20], $0x50  }
0x57: {  	_ =	swait.ge [sflag:s29], $0x50  }
0x58: {  	[sflag:s29] =	ssyncset.done $0x0  }
0x59: {  	[sflag:s29] =	ssyncadd.s32 $0xFFFFFFB0  }
0x5a: {  	[bflag:$0x0] =	sbarrier.arrive $0xFFFF  }
0x5b: {  	[tilespmem:s31], [sflag:$0x1] =	stream.indirect.gather [hbm4b:s1+s30], $0x80, s6, s30, $0xb8;
	[tilespmem:$0x1E480] =	vst v63  }
0x5c: {  	_ = 	snop  }
0x5d: {  	[tilespmem:s0], [sflag:$0x2] =	stream.indirect.gather [hbm4b:s1+s30], $0x80, s30, s30, $0xb8;
	[tilespmem:$0x1E480] =	vst v63  }
0x5e: {  	_ =	swait.ge [sflag:s7], $0x2800  }
0x5f: {  	[sflag:s7] =	ssyncset.done $0x0  }
0x60: {  	s24 =	simm.s32 $0x2780;
	[sflag:s7] =	ssyncadd.s32 $0xFFFFD800  }
0x61: {  	[spmem:s2] =	stream.indirect.scatter.add.f32 [tilespmem:s31], [sflag:$0x3], $0x80, s24, s30, $0xb8;
	[tilespmem:$0x1E480] =	vst v63  }
0x62: {  	s28 =	simm.s32 $0x0  }
0x63: {  	[spmem:s3] =	stream.indirect.scatter.add.f32 [tilespmem:s4], [sflag:$0x5], $0x1, s28, s30, $0xb8;
	[tilespmem:$0x1E480] =	vst v63  }
0x64: {  	_ =	swait.ge [sflag:s29], $0x50  }
0x65: {  	[sflag:s29] =	ssyncset.done $0x0  }
0x66: {  	[sflag:s29] =	ssyncadd.s32 $0xFFFFFFB0  }
0x67: {  	[spmem:s5] =	stream.indirect.scatter.add.f32 [tilespmem:s4], [sflag:$0x5], $0x1, s24, s30, $0xb8;
	[tilespmem:$0x1E480] =	vst v63  }
0x68: {  	_ =	swait.ge [sflag:s29], $0x50  }
0x69: {  	[sflag:s29] =	ssyncset.done $0x0  }
0x6a: {  	[sflag:s29] =	ssyncadd.s32 $0xFFFFFFB0  }
0x6b: {  	_ =	swait.ge [sflag:s8], $0x2800  }
0x6c: {  	[sflag:s8] =	ssyncset.done $0x0  }
0x6d: {  	s23 =	simm.s32 $0x27D0;
	[sflag:s8] =	ssyncadd.s32 $0xFFFFD800  }
0x6e: {  	[spmem:s2] =	stream.indirect.scatter.add.f32 [tilespmem:s0], [sflag:$0x4], $0x80, s23, s30, $0xb8;
	[tilespmem:$0x1E480] =	vst v63  }
0x6f: {  	s28 =	simm.s32 $0x50  }
0x70: {  	[spmem:s3] =	stream.indirect.scatter.add.f32 [tilespmem:s4], [sflag:$0x5], $0x1, s28, s30, $0xb8;
	[tilespmem:$0x1E480] =	vst v63  }
0x71: {  	_ =	swait.ge [sflag:s29], $0x50  }
0x72: {  	[sflag:s29] =	ssyncset.done $0x0  }
0x73: {  	[sflag:s29] =	ssyncadd.s32 $0xFFFFFFB0  }
0x74: {  	[spmem:s5] =	stream.indirect.scatter.add.f32 [tilespmem:s4], [sflag:$0x5], $0x1, s23, s30, $0xb8;
	[tilespmem:$0x1E480] =	vst v63  }
0x75: {  	_ =	swait.ge [sflag:s29], $0x50  }
0x76: {  	[sflag:s29] =	ssyncset.done $0x0  }
0x77: {  	[sflag:s29] =	ssyncadd.s32 $0xFFFFFFB0  }
0x78: {  	_ =	swait.ge [sflag:s9], $0x2800  }
0x79: {  	[sflag:s9] =	ssyncset.done $0x0  }
0x7a: {  	s24 =	simm.s32 $0xA0;
	[sflag:s9] =	ssyncadd.s32 $0xFFFFD800  }
0x7b: {  	[tilespmem:s31], [sflag:$0x1] =	stream.indirect.gather [hbm4b:s1+s30], $0x80, s24, s30, $0xb8;
	[tilespmem:$0x1E480] =	vst v63  }
0x7c: {  	_ =	swait.ge [sflag:s11], $0x2800  }
0x7d: {  	[sflag:s11] =	ssyncset.done $0x0  }
0x7e: {  	s22 =	simm.s32 $0x280;
	s28 =	simm.s32 $0xF0;
	[sflag:s11] =	ssyncadd.s32 $0xFFFFD800  }
.LBB2_2:
0x7f: {  	[tilespmem:s0], [sflag:$0x2] =	stream.indirect.gather [hbm4b:s1+s30], $0x80, s28, s30, $0xb8;
	[tilespmem:$0x1E480] =	vst v63  }
0x80: {  	s28 =	smov.u32 s22  }
0x81: {  	p0 =	sne.s32 s22, $0x9600;
	s22 =	sadd.s32 $0x280, s22;
	_ =	swait.ge [sflag:s7], $0x2800  }
0x82: {  	s28 =	sshra.s32 s28, $0x2;
	[sflag:s7] =	ssyncset.done $0x0  }
0x83: {  	s23 =	sadd.s32 $0x2780, s28;
	[sflag:s7] =	ssyncadd.s32 $0xFFFFD800  }
0x84: {  	[spmem:s2] =	stream.indirect.scatter.add.f32 [tilespmem:s31], [sflag:$0x3], $0x80, s23, s30, $0xb8;
	[tilespmem:$0x1E480] =	vst v63  }
0x85: {  	_ = 	snop  }
0x86: {  	[spmem:s3] =	stream.indirect.scatter.add.f32 [tilespmem:s4], [sflag:$0x5], $0x1, s28, s30, $0xb8;
	[tilespmem:$0x1E480] =	vst v63  }
0x87: {  	_ =	swait.ge [sflag:s29], $0x50  }
0x88: {  	[sflag:s29] =	ssyncset.done $0x0  }
0x89: {  	[sflag:s29] =	ssyncadd.s32 $0xFFFFFFB0  }
0x8a: {  	[spmem:s5] =	stream.indirect.scatter.add.f32 [tilespmem:s4], [sflag:$0x5], $0x1, s23, s30, $0xb8;
	[tilespmem:$0x1E480] =	vst v63  }
0x8b: {  	_ =	swait.ge [sflag:s29], $0x50  }
0x8c: {  	[sflag:s29] =	ssyncset.done $0x0  }
0x8d: {  	[sflag:s29] =	ssyncadd.s32 $0xFFFFFFB0  }
0x8e: {  	_ =	swait.ge [sflag:s8], $0x2800  }
0x8f: {  	[sflag:s8] =	ssyncset.done $0x0  }
0x90: {  	s23 =	sadd.s32 $0x27D0, s28;
	[sflag:s8] =	ssyncadd.s32 $0xFFFFD800  }
0x91: {  	[spmem:s2] =	stream.indirect.scatter.add.f32 [tilespmem:s0], [sflag:$0x4], $0x80, s23, s30, $0xb8;
	[tilespmem:$0x1E480] =	vst v63  }
0x92: {  	s24 =	sadd.s32 $0x50, s28  }
0x93: {  	[spmem:s3] =	stream.indirect.scatter.add.f32 [tilespmem:s4], [sflag:$0x5], $0x1, s24, s30, $0xb8;
	[tilespmem:$0x1E480] =	vst v63  }
0x94: {  	_ =	swait.ge [sflag:s29], $0x50  }
0x95: {  	[sflag:s29] =	ssyncset.done $0x0  }
0x96: {  	[sflag:s29] =	ssyncadd.s32 $0xFFFFFFB0  }
0x97: {  	[spmem:s5] =	stream.indirect.scatter.add.f32 [tilespmem:s4], [sflag:$0x5], $0x1, s23, s30, $0xb8;
	[tilespmem:$0x1E480] =	vst v63  }
0x98: {  	_ =	swait.ge [sflag:s29], $0x50  }
0x99: {  	[sflag:s29] =	ssyncset.done $0x0  }
0x9a: {  	[sflag:s29] =	ssyncadd.s32 $0xFFFFFFB0  }
0x9b: {  	_ =	swait.ge [sflag:s9], $0x2800  }
0x9c: {  	[sflag:s9] =	ssyncset.done $0x0  }
.Ltmp0:
0x9d: {  	s23 =	sadd.s32 $0xA0, s28;
	[sflag:s9] =	ssyncadd.s32 $0xFFFFD800;
	(pc) =	sbr.rel @p0 .LBB2_2-.Ltmp0, $4  }
0x9e: {  	[tilespmem:s31], [sflag:$0x1] =	stream.indirect.gather [hbm4b:s1+s30], $0x80, s23, s30, $0xb8;
	[tilespmem:$0x1E480] =	vst v63  }
0x9f: {  	_ =	swait.ge [sflag:s11], $0x2800  }
0xa0: {  	[sflag:s11] =	ssyncset.done $0x0  }
0xa1: {  	s28 =	sadd.s32 $0xF0, s28;
	[sflag:s11] =	ssyncadd.s32 $0xFFFFD800  }
0xa2: {  	[tilespmem:s0], [sflag:$0x2] =	stream.indirect.gather [hbm4b:s1+s30], $0x80, s28, s30, $0xb8;
	[tilespmem:$0x1E480] =	vst v63  }
0xa3: {  	_ =	swait.ge [sflag:s7], $0x2800  }
0xa4: {  	[sflag:s7] =	ssyncset.done $0x0  }
0xa5: {  	[sflag:s7] =	ssyncadd.s32 $0xFFFFD800  }
0xa6: {  	[spmem:s2] =	stream.indirect.scatter.add.f32 [tilespmem:s31], [sflag:$0x3], $0x80, s12, s30, $0xb8;
	[tilespmem:$0x1E480] =	vst v63  }
0xa7: {  	s22 =	simm.s32 $0x2620  }
0xa8: {  	[spmem:s3] =	stream.indirect.scatter.add.f32 [tilespmem:s4], [sflag:$0x5], $0x1, s22, s30, $0xb8;
	[tilespmem:$0x1E480] =	vst v63  }
0xa9: {  	_ =	swait.ge [sflag:s29], $0x50  }
0xaa: {  	[sflag:s29] =	ssyncset.done $0x0  }
0xab: {  	[sflag:s29] =	ssyncadd.s32 $0xFFFFFFB0  }
0xac: {  	[spmem:s5] =	stream.indirect.scatter.add.f32 [tilespmem:s4], [sflag:$0x5], $0x1, s12, s30, $0xb8;
	[tilespmem:$0x1E480] =	vst v63  }
0xad: {  	_ =	swait.ge [sflag:s29], $0x50  }
0xae: {  	[sflag:s29] =	ssyncset.done $0x0  }
0xaf: {  	[sflag:s29] =	ssyncadd.s32 $0xFFFFFFB0  }
0xb0: {  	_ =	swait.ge [sflag:s8], $0x2800  }
0xb1: {  	[sflag:s8] =	ssyncset.done $0x0  }
0xb2: {  	[sflag:s8] =	ssyncadd.s32 $0xFFFFD800  }
0xb3: {  	[spmem:s2] =	stream.indirect.scatter.add.f32 [tilespmem:s0], [sflag:$0x4], $0x80, s13, s30, $0xb8;
	[tilespmem:$0x1E480] =	vst v63  }
0xb4: {  	s24 =	simm.s32 $0x2670  }
0xb5: {  	[spmem:s3] =	stream.indirect.scatter.add.f32 [tilespmem:s4], [sflag:$0x5], $0x1, s24, s30, $0xb8;
	[tilespmem:$0x1E480] =	vst v63  }
0xb6: {  	_ =	swait.ge [sflag:s29], $0x50  }
0xb7: {  	[sflag:s29] =	ssyncset.done $0x0  }
0xb8: {  	[sflag:s29] =	ssyncadd.s32 $0xFFFFFFB0  }
0xb9: {  	[spmem:s5] =	stream.indirect.scatter.add.f32 [tilespmem:s4], [sflag:$0x5], $0x1, s13, s30, $0xb8;
	[tilespmem:$0x1E480] =	vst v63  }
0xba: {  	_ =	swait.ge [sflag:s29], $0x50  }
0xbb: {  	[sflag:s29] =	ssyncset.done $0x0  }
0xbc: {  	[sflag:s29] =	ssyncadd.s32 $0xFFFFFFB0  }
0xbd: {  	_ =	swait.ge [sflag:s9], $0x2800  }
0xbe: {  	[sflag:s9] =	ssyncset.done $0x0  }
0xbf: {  	[sflag:s9] =	ssyncadd.s32 $0xFFFFD800  }
0xc0: {  	[tilespmem:s31], [sflag:$0x1] =	stream.indirect.gather [hbm4b:s1+s30], $0x80, s14, s30, $0xb8;
	[tilespmem:$0x1E480] =	vst v63  }
0xc1: {  	_ =	swait.ge [sflag:s11], $0x2800  }
0xc2: {  	[sflag:s11] =	ssyncset.done $0x0  }
0xc3: {  	[sflag:s11] =	ssyncadd.s32 $0xFFFFD800  }
0xc4: {  	_ =	swait.ge [sflag:s7], $0x2800  }
0xc5: {  	[sflag:s7] =	ssyncset.done $0x0  }
0xc6: {  	[sflag:s7] =	ssyncadd.s32 $0xFFFFD800  }
0xc7: {  	[spmem:s2] =	stream.indirect.scatter.add.f32 [tilespmem:s31], [sflag:$0x3], $0x80, s15, s30, $0xb8;
	[tilespmem:$0x1E480] =	vst v63  }
0xc8: {  	_ = 	snop  }
0xc9: {  	[spmem:s3] =	stream.indirect.scatter.add.f32 [tilespmem:s4], [sflag:$0x5], $0x1, s14, s30, $0xb8;
	[tilespmem:$0x1E480] =	vst v63  }
0xca: {  	_ =	swait.ge [sflag:s29], $0x50  }
0xcb: {  	[sflag:s29] =	ssyncset.done $0x0  }
0xcc: {  	[sflag:s29] =	ssyncadd.s32 $0xFFFFFFB0  }
0xcd: {  	[spmem:s5] =	stream.indirect.scatter.add.f32 [tilespmem:s4], [sflag:$0x5], $0x1, s15, s30, $0xb8;
	[tilespmem:$0x1E480] =	vst v63  }
0xce: {  	_ =	swait.ge [sflag:s29], $0x50  }
0xcf: {  	[sflag:s29] =	ssyncset.done $0x0  }
0xd0: {  	[sflag:s29] =	ssyncadd.s32 $0xFFFFFFB0  }
0xd1: {  	_ =	swait.ge [sflag:s9], $0x2800  }
0xd2: {  	[sflag:s9] =	ssyncset.done $0x0  }
0xd3: {  	[sflag:s9] =	ssyncadd.s32 $0xFFFFD800  }
0xd4: {  	[bflag:$0x0] =	sbarrier.arrive $0xFFFF  }
0xd5: {  	s28 =	sshrl.u32 s10, $0x3;
	s23 =	rddreg [dreg:$0x14]  }
0xd6: {  	[hbm:s23], [sflag:s19] =	dma.local [spmem:s28], $0x2800  }
0xd7: {  	_ =	swait.ge [sflag:s29], $0x2800  }
0xd8: {  	[sflag:s29] =	ssyncset.done $0x0  }
0xd9: {  	s24 =	rddreg [dreg:$0x15];
	[sflag:s29] =	ssyncadd.s32 $0xFFFFD800  }
0xda: {  	[hbm:s24@s16], [sflag:s19] =	dma.strided [spmem:s21@s17], $0x50, s7, $0x10   }
0xdb: {  	s18 =	sadd.s32 $0x1, s18;
	_ =	swait.ge [sflag:s29], $0x50  }
0xdc: {  	p0 =	sne.s32 s18, s25;
	[sflag:s29] =	ssyncset.done $0x0  }
.Ltmp1:
0xdd: {  	s28 =	rddreg [dreg:$0x16];
	[sflag:s29] =	ssyncadd.s32 $0xFFFFFFB0;
	(pc) =	sbr.rel @p0 .LBB2_1-.Ltmp1, $4  }
0xde: {  	[hbm:s28@s16], [sflag:s19] =	dma.strided [spmem:s26@s17], $0x50, s7, $0x10   }
0xdf: {  	_ =	swait.ge [sflag:s29], $0x50  }
0xe0: {  	[sflag:s29] =	ssyncset.done $0x0  }
0xe1: {  	[sflag:s29] =	ssyncadd.s32 $0xFFFFFFB0  }
0xe2: {  	_ =	sfence.sel $0x180000  }
0xe3: {  	[bflag:$0x0] =	sbarrier.arrive $0xFFFF  }
0xe4: {  	_ =	strace $0x90000047  }
0xe5: {  	s0 =	stileid.u32;
	[bflag:$0x2] =	sbarrier.arrive $0xFFFF  }
0xe6: {  	p0 =	sne.s32 s0, $0x0;
	s0 =	rddreg [dreg:$0x6]  }
0xe7: {  	s0 =	sadd.s32 @!p0 $0x100000, s0  }
0xe8: {  	[sflag:s0] =	ssyncadd.tile.s32 @!p0 $0x1;
	_ =	shalt  }
.Lfunc_end2:
_tile_overlayer_lowered:
.L_overlay_start_2:
0xe9: {  	(tag) =	ssettag $0x2  }
0xea: {  	s0 =	rddreg [dreg:$0x0];
	s2 =	stileid.u32  }
0xeb: {  	s1 =	rddreg [dreg:$0x1];
	p0 =	sne.s32 s2, $0x0  }
0xec: {  	s3 =	rddreg [dreg:$0x2];
	[bflag:$0x3] =	sbarrier.arrive $0xFFFF;
	s2 =	simm.s32 @!p0 $0x1C05  }
0xed: {  	[timem:s3], [sflag:s2] =	dma.local @!p0 [hbm:s0], s1  }
0xee: {  	s0 =	simm.s32 @!p0 $0x5  }
0xef: {  	_ =	swait.ge @!p0 [sflag:s0], s1  }
0xf0: {  	s1 =	ssub.s32 @!p0 $0x0, s1;
	[sflag:s0] =	ssyncset.done @!p0 $0x0  }
0xf1: {  	[sflag:s0] =	ssyncadd.s32 @!p0 s1  }
0xf2: {  	[bflag:$0x3] =	sbarrier.arrive $0xFFFF  }
0xf3: {  	_ =	shalt  }

// kernel: kernel.9.cloned.1.call-start
scs
__scs_entry_jumppad:
0x0: {  	(pc) =	sbr.rel $0x88, $3  }
0x1: {  	(tag) =	ssettag $0x0;
	lr =	simm.s32 $0x1  }
0x2: {  	[smem:$0x3F9D] =	sst lr;
	_ =	strace $0xD0000000  }
0x3: {  	_ = 	snop  }
0x4: {  	_ = 	snop  }
0x5: {  	_ = 	snop  }
0x6: {  	_ = 	snop  }
0x7: {  	_ = 	snop  }
__scs_overlays_trampoline_lowered:
0x8: {  	[smem:$0x3FAC] =	sst s0  }
0x9: {  	[smem:$0x3FAD] =	sst s1  }
0xa: {  	[smem:$0x3FAE] =	sst s2  }
0xb: {  	[smem:$0x3FAF] =	sst s3  }
0xc: {  	[smem:$0x3FB0] =	sst s4  }
0xd: {  	[smem:$0x3FB1] =	sst s5  }
0xe: {  	[smem:$0x3FB2] =	sst s6  }
0xf: {  	[smem:$0x3FB3] =	sst s7  }
0x10: {  	[smem:$0x3FB4] =	sst s8  }
0x11: {  	[smem:$0x3FB5] =	sst s9;
	s0 =	simm.s32 @!p0 $0x0  }
0x12: {  	s1 =	sld [smem:$0x3F9B];
	s0 =	simm.s32 @p0 $0x1  }
0x13: {  	[smem:$0x3FB6] =	sst s0;
	s0 =	simm.s32 @!p1 $0x0  }
0x14: {  	s2 =	sld [smem:$0x3F9A];
	s0 =	simm.s32 @p1 $0x1  }
0x15: {  	[smem:$0x3FB7] =	sst s0;
	s0 =	simm.s32 @!p2 $0x0  }
0x16: {  	s3 =	sld [smem:$0x3FDB];
	s0 =	simm.s32 @p2 $0x1  }
0x17: {  	s4 =	simm.s32 $0x1BF5;
	[smem:$0x3FB9] =	sst s0  }
0x18: {  	s0 =	sld [smem:$0x3F9C];
	_ =	swait.ge [sflag:s4], $0x0  }
0x19: {  	s7 =	sld [smem:$0x3F9D]  }
0x1a: {  	s8 =	sadd.s32 $0xFFFFE003, lr  }
0x1b: {  	s9 =	sadd.s32 $0xFFFFFEF7, lr;
	s5 =	simm.s32 $0xFFFFFFFF;
	p2 =	slt.u32 s8, $0xFFFFF086  }
0x1c: {  	p1 =	slt.u32 s9, $0xF7A;
	s5 =	simm.s32 @!p2 $0x0  }
0x1d: {  	s5 =	simm.s32 @p1 $0x1;
	p0 =	seq.s32 s7, s2  }
0x1e: {  	s7 =	smul.u32 @!p0 $0xF7A, s2;
	p2 =	seq.s32 @!p0 s5, $0x0  }
0x1f: {  	s9 =	smul.u32 $0xF7A, s1;
	s8 =	simm.s32 @!p0 $0x1BF5;
	p2 =	por !p2, p0  }
0x20: {  	[sflag:s8] =	ssyncset.s32 @!p0 $0xFFFFF086;
	s6 =	sadd.s32 @!p0 s3, s7;
	s7 =	simm.s32 @!p0 $0x108  }
0x21: {  	s3 =	sadd.s32 s3, s9;
	s6 =	sadd.s32 @!p0 $0x88, s6;
	s7 =	simm.s32 @p2 $0x1082  }
0x22: {  	[simem:s7], [sflag:s8] =	dma.local @!p0 [hbm:s6], $0xF7A  }
0x23: {  	s9 =	sor.u32 $0xD0000000, s2;
	s6 =	simm.s32 $0x108;
	_ =	swait.ge @!p0 [sflag:s8], $0x0  }
0x24: {  	s3 =	sadd.s32 $0x88, s3;
	s6 =	simm.s32 @!p1 $0x1082;
	[sflag:s4] =	ssyncset.s32 $0xFFFFF086  }
0x25: {  	[simem:s6], [sflag:s4] =	dma.local [hbm:s3], $0xF7A  }
0x26: {  	[smem:$0x3F9D] =	sst s1;
	(tag) =	ssettag s2;
	_ =	strace s9  }
0x27: {  	s1 =	sld [smem:$0x3FAD]  }
0x28: {  	s2 =	sld [smem:$0x3FAE]  }
0x29: {  	s4 =	sld [smem:$0x3FB0]  }
0x2a: {  	p0 =	seq.s32 s5, $0x0;
	s5 =	sld [smem:$0x3FB1]  }
0x2b: {  	s6 =	sld [smem:$0x3FB2]  }
0x2c: {  	s7 =	sld [smem:$0x3FB3]  }
0x2d: {  	s3 =	simm.s32 $0x108;
	s8 =	sld [smem:$0x3FB4]  }
0x2e: {  	s3 =	simm.s32 @!p0 $0x1082;
	s9 =	sld [smem:$0x3FB5]  }
0x2f: {  	lr =	sadd.s32 s0, s3;
	s0 =	sld [smem:$0x3FAC]  }
0x30: {  	s3 =	sld [smem:$0x3FAF]  }
0x31: {  	[smem:$0x3FB8] =	sst s10  }
0x32: {  	s10 =	sld [smem:$0x3FB6];
	_ =	sdelay $0x3  }
0x33: {  	p0 =	seq.s32 s10, $0x1;
	s10 =	sld [smem:$0x3FB8];
	_ =	sdelay $0x3  }
0x34: {  	[smem:$0x3FB8] =	sst s10  }
0x35: {  	s10 =	sld [smem:$0x3FB7];
	_ =	sdelay $0x3  }
0x36: {  	p1 =	seq.s32 s10, $0x1;
	s10 =	sld [smem:$0x3FB8];
	_ =	sdelay $0x3  }
0x37: {  	[smem:$0x3FB8] =	sst s10  }
0x38: {  	s10 =	sld [smem:$0x3FB9]  }
0x39: {  	_ = 	snop;
	(pc) =	sbr.ind lr, $3  }
0x3a: {  	_ = 	snop  }
0x3b: {  	_ = 	snop  }
0x3c: {  	p2 =	seq.s32 s10, $0x1;
	s10 =	sld [smem:$0x3FB8]  }
0x3d: {  	_ =	shalt  }
0x3e: {  	_ =	shalt  }
0x3f: {  	_ =	shalt  }
0x40: {  	_ =	shalt  }
0x41: {  	_ =	shalt  }
0x42: {  	_ =	shalt  }
0x43: {  	_ =	shalt  }
0x44: {  	_ =	shalt  }
0x45: {  	_ =	shalt  }
0x46: {  	_ =	shalt  }
0x47: {  	_ =	shalt  }
0x48: {  	_ =	shalt  }
0x49: {  	_ =	shalt  }
0x4a: {  	_ =	shalt  }
0x4b: {  	_ =	shalt  }
0x4c: {  	_ =	shalt  }
0x4d: {  	_ =	shalt  }
0x4e: {  	_ =	shalt  }
0x4f: {  	_ =	shalt  }
0x50: {  	_ =	shalt  }
0x51: {  	_ =	shalt  }
0x52: {  	_ =	shalt  }
0x53: {  	_ =	shalt  }
0x54: {  	_ =	shalt  }
0x55: {  	_ =	shalt  }
0x56: {  	_ =	shalt  }
0x57: {  	_ =	shalt  }
0x58: {  	_ =	shalt  }
0x59: {  	_ =	shalt  }
0x5a: {  	_ =	shalt  }
0x5b: {  	_ =	shalt  }
0x5c: {  	_ =	shalt  }
0x5d: {  	_ =	shalt  }
0x5e: {  	_ =	shalt  }
0x5f: {  	_ =	shalt  }
0x60: {  	_ =	shalt  }
0x61: {  	_ =	shalt  }
0x62: {  	_ =	shalt  }
0x63: {  	_ =	shalt  }
0x64: {  	_ =	shalt  }
0x65: {  	_ =	shalt  }
0x66: {  	_ =	shalt  }
0x67: {  	_ =	shalt  }
0x68: {  	_ =	shalt  }
0x69: {  	_ =	shalt  }
0x6a: {  	_ =	shalt  }
0x6b: {  	_ =	shalt  }
0x6c: {  	_ =	shalt  }
0x6d: {  	_ =	shalt  }
0x6e: {  	_ =	shalt  }
0x6f: {  	_ =	shalt  }
0x70: {  	_ =	shalt  }
0x71: {  	_ =	shalt  }
0x72: {  	_ =	shalt  }
0x73: {  	_ =	shalt  }
0x74: {  	_ =	shalt  }
0x75: {  	_ =	shalt  }
0x76: {  	_ =	shalt  }
0x77: {  	_ =	shalt  }
0x78: {  	_ =	shalt  }
0x79: {  	_ =	shalt  }
0x7a: {  	_ =	shalt  }
0x7b: {  	_ =	shalt  }
0x7c: {  	_ =	shalt  }
0x7d: {  	_ =	shalt  }
0x7e: {  	_ =	shalt  }
0x7f: {  	_ =	shalt  }
0x80: {  	_ =	shalt  }
0x81: {  	_ =	shalt  }
0x82: {  	_ =	shalt  }
0x83: {  	_ =	shalt  }
0x84: {  	_ =	shalt  }
0x85: {  	_ =	shalt  }
0x86: {  	_ =	shalt  }
0x87: {  	_ =	shalt  }
.Lfunc_end0:
.L_simem_size_0:
called_computation.1_lowered:
.L_overlay_start_0:
0x88: {  	s2 =	sld [smem:$0x3FD9]  }
0x89: {  	s3 =	sld [smem:$0x3FFE];
	_ =	sdelay $0x1  }
0x8a: {  	s1 =	srdreg.scid  }
0x8b: {  	s0 =	sand.u32 $0x1, s1  }
0x8c: {  	s17 =	sshll.u32 s0, $0xA;
	s2 =	sadd.s32 s3, s2  }
0x8d: {  	s2 =	sadd.s32 s2, s17  }
0x8e: {  	[smem:$0x3FC4] =	sst s2  }
0x8f: {  	_ = 	snop  }
0x90: {  	s2 =	sld [smem:$0x3FD0];
	(tm) =	ssettm $0x1  }
0x91: {  	s18 =	sld [smem:$0x3FFB];
	_ =	sdelay $0x3  }
0x92: {  	_ =	strace s18  }
0x93: {  	s3 =	sld [smem:$0x3FFC];
	_ =	sdelay $0x3  }
0x94: {  	_ =	strace s3  }
0x95: {  	s3 =	sld [smem:$0x3FFD];
	_ =	sdelay $0x3  }
0x96: {  	_ =	strace s3  }
0x97: {  	_ =	strace $0x8FFFFFFF  }
0x98: {  	s19 =	sld [smem:$0x3FDB];
	_ =	sdelay $0x1  }
0x99: {  	s4 =	simm.s32 $_scs_section_size  }
0x9a: {  	s5 =	simm.s32 $_size__tile_overlayer_lowered;
	s6 =	simm.s32 $_tile_overlayer_lowered  }
0x9b: {  	s22 =	simm.s32 $0x1BFF;
	s21 =	sshll.u32 s6, $0x1;
	s3 =	sadd.s32 s4, s19  }
0x9c: {  	s7 =	simm.s32 $0x0;
	s20 =	sshll.u32 s5, $0x1;
	s5 =	sadd.s32 s21, s3  }
0x9d: {  	[timem:s7], [sflag:s22] =	dma.local [hbm:s5], s20  }
0x9e: {  	_ =	swait.ge [sflag:s22], s20  }
0x9f: {  	s4 =	ssub.s32 $0x0, s20;
	[sflag:s22] =	ssyncset.done $0x0  }
0xa0: {  	[sflag:s22] =	ssyncadd.s32 s4;
	_ =	sdelay $0x1  }
0xa1: {  	s23 =	simm.s32 $0x1B8B  }
0xa2: {  	_ =	swait.ge [sflag:s23], $0x1  }
0xa3: {  	[sflag:s23] =	ssyncset.done $0x0  }
0xa4: {  	s25 =	simm.s32 $0x1B8E;
	s24 =	sld [smem:$0x3FFE];
	[sflag:s23] =	ssyncadd.s32 $0xFFFFFFFF  }
0xa5: {  	s26 =	simm.s32 $execute0_lowered;
	[smem:$0x3FD2] =	sst s25  }
0xa6: {  	s5 =	sshll.u32 s26, $0x1;
	_ =	strace $0x80000049;
	[dreg:$0x1] =	wrdreg $0xFFFFFFFF  }
0xa7: {  	s28 =	simm.s32 $_size_execute0_lowered;
	s3 =	sadd.s32 s3, s5;
	[dreg:$0x0] =	wrdreg $0x0  }
0xa8: {  	s5 =	sshll.u32 s28, $0x1;
	[dreg:$0x2] =	wrdreg s3  }
0xa9: {  	[dreg:$0x3] =	wrdreg s5  }
0xaa: {  	[dreg:$0x4] =	wrdreg $0xC0  }
0xab: {  	_ =	task [dreg:s7], $0x5FFFF  }
0xac: {  	[dreg:$0x1] =	wrdreg $0xFFFFFFFF  }
0xad: {  	[dreg:$0x0] =	wrdreg $0x60  }
0xae: {  	[dreg:$0x2] =	wrdreg s24  }
0xaf: {  	[dreg:$0x3] =	wrdreg s2  }
0xb0: {  	[dreg:$0x4] =	wrdreg $0x9F000  }
0xb1: {  	[dreg:$0x5] =	wrdreg $0x9  }
0xb2: {  	_ =	task.clear_ibuf [dreg:s7], $0x6FFFF;
	_ =	strace $0x90000049  }
0xb3: {  	s29 =	simm.s32 $0x9;
	_ =	strace $0x8000004B  }
0xb4: {  	_ =	swait.ge [sflag:s29], $0x1  }
0xb5: {  	[sflag:s29] =	ssyncadd.s32 $0xFFFFFFFF  }
0xb6: {  	_ =	strace $0x9000004B  }
0xb7: {  	_ =	sfence  }
0xb8: {  	s30 =	sld [smem:$0x0];
	_ =	sdelay $0x2  }
0xb9: {  	s31 =	sshll.u32 s1, $0xD;
	s1 =	sshrl.u32 s1, $0x2  }
0xba: {  	s3 =	sand.u32 $0x4000, s31;
	s1 =	sadd.s32 s1, s30  }
0xbb: {  	s0 =	sor.u32 s3, s0;
	s1 =	sshll.u32 s1, $0x11  }
0xbc: {  	s0 =	sor.u32 s1, s0  }
0xbd: {  	s0 =	sadd.s32 $0x8F2B, s0  }
0xbe: {  	[sflag:s0] =	ssyncadd.remote.s32 $0x1  }
0xbf: {  	_ =	sfence.sel $0xFFFF  }
0xc0: {  	[dreg:$0x0] =	wrdreg $0xFFFFFFFF;
	(pc) =	sbr.abs _section_cstart, $3  }
0xc1: {  	[dreg:$0x1] =	wrdreg $0xFFFFFFFF  }
0xc2: {  	_ =	task.clear_ibuf [dreg:s7], $0x2FFFF;
	_ =	strace $0x9FFFFFFF  }
0xc3: {  	(tm) =	ssettm $0x7FFFFFFF  }
tec
execute0_lowered:
.L_overlay_start_1:
0x0: {  	(tag) =	ssettag $0x1  }
0x1: {  	s0 =	rddreg [dreg:$0x0]  }
0x2: {  	s2 =	rddreg [dreg:$0x1]  }
0x3: {  	s1 =	rddreg [dreg:$0x2]  }
0x4: {  	s3 =	srdreg.scid;
	s11 =	stileid.u32;
	s18 =	simm.s32 $0x80  }
0x5: {  	s19 =	simm.s32 $0x400;
	s20 =	simm.s32 $0x5;
	s22 =	simm.s32 $0x4F00  }
0x6: {  	s23 =	simm.s32 $0x50;
	s24 =	simm.s32 $0x7700;
	s25 =	simm.s32 $0x1  }
0x7: {  	s28 =	simm.s32 $0x3;
	s29 =	simm.s32 $0x4;
	s21 =	simm.s32 $0x0  }
0x8: {  	s6 =	sand.u32 $0x1, s3;
	s26 =	sshrl.u32 s11, $0x2;
	s9 =	smul.u32 $0x14000, s11  }
0x9: {  	s4 =	sshll.u32 s11, $0x8;
	s3 =	simm.s32 $0x0;
	s11 =	smul.u32 $0x50000, s11  }
0xa: {  	s5 =	smul.u32 $0x13C00, s26;
	s7 =	sshll.u32 s6, $0x7;
	s4 =	sand.u32 $0x300, s4  }
0xb: {  	[smem:$0x7FF] =	sst s3;
	s30 =	smul.u32 $0x140000, s6;
	s6 =	ssub.s32 $0x2, s6  }
0xc: {  	s26 =	simm.s32 $0x2;
	s4 =	sor.u32 s7, s4;
	_ =	strace $0x8000004A  }
0xd: {  	s31 =	sshrl.u32 s6, $0x1;
	s11 =	sshrl.u32 s11, $0x2;
	s4 =	sor.u32 s5, s4  }
0xe: {  	s5 =	sadd.s32 $0xB000, s0;
	s7 =	sadd.s32 s9, s30;
	s17 =	ssub.s32 s6, s31  }
0xf: {  	s6 =	sadd.s32 s11, s1;
	s8 =	sshrl.u32 s4, $0x3;
	s4 =	sadd.s32 $0xB600, s0  }
0x10: {  	s7 =	sshrl.u32 s7, $0x3;
	s9 =	sadd.s32 $0x2800, s6;
	s11 =	sadd.s32 $0x7800, s6  }
0x11: {  	s12 =	sadd.s32 $0xA000, s6;
	s13 =	sadd.s32 $0xC800, s6;
	s14 =	sadd.s32 $0xF000, s6  }
0x12: {  	s15 =	sadd.s32 $0x11800, s6;
	s17 =	smax.u32 s17, $0x1;
	s10 =	sadd.s32 s8, s0  }
0x13: {  	s0 =	sadd.s32 s7, s0;
	s8 =	sadd.s32 s2, s8;
	s7 =	sadd.s32 $0x1000, s10  }
0x14: {  	s10 =	sadd.s32 $0x5000, s6;
	s16 =	sadd.s32 $0x5D000, s0;
	s0 =	simm.s32 $0x4E40  }
.LBB2_1:
0x15: {  	[tilespmem:s3], [sflag:$0x5] =	stream.strided.gather [hbm4b:s7+s18], $0x2780, s19, s18, $0x38;
	[tilespmem:$0x1DF00] =	vst v63  }
0x16: {  	_ =	swait.ge [sflag:s20], $0x2780  }
0x17: {  	[sflag:s20] =	ssyncset.done $0x0  }
0x18: {  	s2 =	simm.s32 $0x2780;
	[sflag:s20] =	ssyncadd.s32 $0xFFFFD880  }
0x19: {  	[tilespmem:s2], [sflag:$0x5] =	stream.strided.gather [hbm4b:s8+s18], $0x2780, s19, s18, $0x38;
	[tilespmem:$0x1DF00] =	vst v63  }
0x1a: {  	_ =	swait.ge [sflag:s20], $0x2780  }
0x1b: {  	[sflag:s20] =	ssyncset.done $0x0  }
0x1c: {  	[sflag:s20] =	ssyncadd.s32 $0xFFFFD880  }
0x1d: {  	[tilespmem:s22], [sflag:$0x5] =	stream.linear.gather [hbm4b:s5+s3], $0x2800, $0x38;
	[tilespmem:$0x1DF00] =	vst v63  }
0x1e: {  	_ =	swait.ge [sflag:s20], $0x2800  }
0x1f: {  	[sflag:s20] =	ssyncset.done $0x0  }
0x20: {  	[sflag:s20] =	ssyncadd.s32 $0xFFFFD800  }
0x21: {  	[spmem:s6] =	stream.linear.scatter [tilespmem:s22], [sflag:$0x5], $0x2800, $0x38;
	[tilespmem:$0x1DF00] =	vst v63  }
0x22: {  	_ =	swait.ge [sflag:s20], $0x2800  }
0x23: {  	[sflag:s20] =	ssyncset.done $0x0  }
0x24: {  	[sflag:s20] =	ssyncadd.s32 $0xFFFFD800  }
0x25: {  	[spmem:s9] =	stream.linear.scatter [tilespmem:s22], [sflag:$0x5], $0x2800, $0x38;
	[tilespmem:$0x1DF00] =	vst v63  }
0x26: {  	_ =	swait.ge [sflag:s20], $0x2800  }
0x27: {  	[sflag:s20] =	ssyncset.done $0x0  }
0x28: {  	[sflag:s20] =	ssyncadd.s32 $0xFFFFD800  }
0x29: {  	[spmem:s10] =	stream.linear.scatter [tilespmem:s22], [sflag:$0x5], $0x2800, $0x38;
	[tilespmem:$0x1DF00] =	vst v63  }
0x2a: {  	_ =	swait.ge [sflag:s20], $0x2800  }
0x2b: {  	[sflag:s20] =	ssyncset.done $0x0  }
0x2c: {  	[sflag:s20] =	ssyncadd.s32 $0xFFFFD800  }
0x2d: {  	[spmem:s11] =	stream.linear.scatter [tilespmem:s22], [sflag:$0x5], $0x2800, $0x38;
	[tilespmem:$0x1DF00] =	vst v63  }
0x2e: {  	_ =	swait.ge [sflag:s20], $0x2800  }
0x2f: {  	[sflag:s20] =	ssyncset.done $0x0  }
0x30: {  	[sflag:s20] =	ssyncadd.s32 $0xFFFFD800  }
0x31: {  	[spmem:s12] =	stream.linear.scatter [tilespmem:s22], [sflag:$0x5], $0x2800, $0x38;
	[tilespmem:$0x1DF00] =	vst v63  }
0x32: {  	_ =	swait.ge [sflag:s20], $0x2800  }
0x33: {  	[sflag:s20] =	ssyncset.done $0x0  }
0x34: {  	[sflag:s20] =	ssyncadd.s32 $0xFFFFD800  }
0x35: {  	[spmem:s13] =	stream.linear.scatter [tilespmem:s22], [sflag:$0x5], $0x2800, $0x38;
	[tilespmem:$0x1DF00] =	vst v63  }
0x36: {  	_ =	swait.ge [sflag:s20], $0x2800  }
0x37: {  	[sflag:s20] =	ssyncset.done $0x0  }
0x38: {  	[sflag:s20] =	ssyncadd.s32 $0xFFFFD800  }
0x39: {  	[spmem:s14] =	stream.linear.scatter [tilespmem:s22], [sflag:$0x5], $0x2800, $0x38;
	[tilespmem:$0x1DF00] =	vst v63  }
0x3a: {  	_ =	swait.ge [sflag:s20], $0x2800  }
0x3b: {  	[sflag:s20] =	ssyncset.done $0x0  }
0x3c: {  	[sflag:s20] =	ssyncadd.s32 $0xFFFFD800  }
0x3d: {  	[spmem:s15] =	stream.linear.scatter [tilespmem:s22], [sflag:$0x5], $0x2800, $0x38;
	[tilespmem:$0x1DF00] =	vst v63  }
0x3e: {  	_ =	swait.ge [sflag:s20], $0x2800  }
0x3f: {  	[sflag:s20] =	ssyncset.done $0x0  }
0x40: {  	[sflag:s20] =	ssyncadd.s32 $0xFFFFD800  }
0x41: {  	[bflag:$0x0] =	sbarrier.arrive $0xFFFF  }
0x42: {  	[tilespmem:s22], [sflag:$0x1] =	stream.indirect.gather [hbm4b:s4+s23], $0x80, s3, s23, $0xb8;
	[tilespmem:$0x1DF00] =	vst v63  }
0x43: {  	_ = 	snop  }
0x44: {  	[tilespmem:s24], [sflag:$0x2] =	stream.indirect.gather [hbm4b:s4+s23], $0x80, s23, s23, $0xb8;
	[tilespmem:$0x1DF00] =	vst v63  }
0x45: {  	_ =	swait.ge [sflag:s25], $0x2800  }
0x46: {  	[sflag:s25] =	ssyncset.done $0x0  }
0x47: {  	s30 =	simm.s32 $0x2780;
	[sflag:s25] =	ssyncadd.s32 $0xFFFFD800  }
0x48: {  	[spmem:s1] =	stream.indirect.scatter.add.f32 [tilespmem:s22], [sflag:$0x3], $0x80, s30, s23, $0xb8;
	[tilespmem:$0x1DF00] =	vst v63  }
0x49: {  	_ =	swait.ge [sflag:s26], $0x2800  }
0x4a: {  	[sflag:s26] =	ssyncset.done $0x0  }
0x4b: {  	s30 =	simm.s32 $0x27D0;
	[sflag:s26] =	ssyncadd.s32 $0xFFFFD800  }
0x4c: {  	[spmem:s1] =	stream.indirect.scatter.add.f32 [tilespmem:s24], [sflag:$0x4], $0x80, s30, s23, $0xb8;
	[tilespmem:$0x1DF00] =	vst v63  }
0x4d: {  	_ =	swait.ge [sflag:s28], $0x2800  }
0x4e: {  	[sflag:s28] =	ssyncset.done $0x0  }
0x4f: {  	s30 =	simm.s32 $0xA0;
	[sflag:s28] =	ssyncadd.s32 $0xFFFFD800  }
0x50: {  	[tilespmem:s22], [sflag:$0x1] =	stream.indirect.gather [hbm4b:s4+s23], $0x80, s30, s23, $0xb8;
	[tilespmem:$0x1DF00] =	vst v63  }
0x51: {  	_ =	swait.ge [sflag:s29], $0x2800  }
0x52: {  	[sflag:s29] =	ssyncset.done $0x0  }
0x53: {  	s31 =	simm.s32 $0xF0;
	s30 =	simm.s32 $0x280;
	[sflag:s29] =	ssyncadd.s32 $0xFFFFD800  }
.LBB2_2:
0x54: {  	[tilespmem:s24], [sflag:$0x2] =	stream.indirect.gather [hbm4b:s4+s23], $0x80, s31, s23, $0xb8;
	[tilespmem:$0x1DF00] =	vst v63  }
0x55: {  	s31 =	smov.u32 s30  }
0x56: {  	p0 =	sne.s32 s30, $0x9600;
	s30 =	sadd.s32 $0x280, s30;
	_ =	swait.ge [sflag:s25], $0x2800  }
0x57: {  	s31 =	sshra.s32 s31, $0x2;
	[sflag:s25] =	ssyncset.done $0x0  }
0x58: {  	s2 =	sadd.s32 $0x2780, s31;
	[sflag:s25] =	ssyncadd.s32 $0xFFFFD800  }
0x59: {  	[spmem:s1] =	stream.indirect.scatter.add.f32 [tilespmem:s22], [sflag:$0x3], $0x80, s2, s23, $0xb8;
	[tilespmem:$0x1DF00] =	vst v63  }
0x5a: {  	_ =	swait.ge [sflag:s26], $0x2800  }
0x5b: {  	[sflag:s26] =	ssyncset.done $0x0  }
0x5c: {  	s2 =	sadd.s32 $0x27D0, s31;
	[sflag:s26] =	ssyncadd.s32 $0xFFFFD800  }
0x5d: {  	[spmem:s1] =	stream.indirect.scatter.add.f32 [tilespmem:s24], [sflag:$0x4], $0x80, s2, s23, $0xb8;
	[tilespmem:$0x1DF00] =	vst v63  }
0x5e: {  	_ =	swait.ge [sflag:s28], $0x2800  }
0x5f: {  	[sflag:s28] =	ssyncset.done $0x0  }
.Ltmp0:
0x60: {  	s2 =	sadd.s32 $0xA0, s31;
	[sflag:s28] =	ssyncadd.s32 $0xFFFFD800;
	(pc) =	sbr.rel @p0 .LBB2_2-.Ltmp0, $4  }
0x61: {  	[tilespmem:s22], [sflag:$0x1] =	stream.indirect.gather [hbm4b:s4+s23], $0x80, s2, s23, $0xb8;
	[tilespmem:$0x1DF00] =	vst v63  }
0x62: {  	_ =	swait.ge [sflag:s29], $0x2800  }
0x63: {  	[sflag:s29] =	ssyncset.done $0x0  }
0x64: {  	s31 =	sadd.s32 $0xF0, s31;
	[sflag:s29] =	ssyncadd.s32 $0xFFFFD800  }
0x65: {  	[tilespmem:s24], [sflag:$0x2] =	stream.indirect.gather [hbm4b:s4+s23], $0x80, s31, s23, $0xb8;
	[tilespmem:$0x1DF00] =	vst v63  }
0x66: {  	_ =	swait.ge [sflag:s25], $0x2800  }
0x67: {  	[sflag:s25] =	ssyncset.done $0x0  }
0x68: {  	s2 =	simm.s32 $0x4DA0;
	[sflag:s25] =	ssyncadd.s32 $0xFFFFD800  }
0x69: {  	[spmem:s1] =	stream.indirect.scatter.add.f32 [tilespmem:s22], [sflag:$0x3], $0x80, s2, s23, $0xb8;
	[tilespmem:$0x1DF00] =	vst v63  }
0x6a: {  	_ =	swait.ge [sflag:s26], $0x2800  }
0x6b: {  	[sflag:s26] =	ssyncset.done $0x0  }
0x6c: {  	s31 =	simm.s32 $0x4DF0;
	[sflag:s26] =	ssyncadd.s32 $0xFFFFD800  }
0x6d: {  	[spmem:s1] =	stream.indirect.scatter.add.f32 [tilespmem:s24], [sflag:$0x4], $0x80, s31, s23, $0xb8;
	[tilespmem:$0x1DF00] =	vst v63  }
0x6e: {  	_ =	swait.ge [sflag:s28], $0x2800  }
0x6f: {  	[sflag:s28] =	ssyncset.done $0x0  }
0x70: {  	s30 =	simm.s32 $0x26C0;
	[sflag:s28] =	ssyncadd.s32 $0xFFFFD800  }
0x71: {  	[tilespmem:s22], [sflag:$0x1] =	stream.indirect.gather [hbm4b:s4+s23], $0x80, s30, s23, $0xb8;
	[tilespmem:$0x1DF00] =	vst v63  }
0x72: {  	_ =	swait.ge [sflag:s29], $0x2800  }
0x73: {  	[sflag:s29] =	ssyncset.done $0x0  }
0x74: {  	[sflag:s29] =	ssyncadd.s32 $0xFFFFD800  }
0x75: {  	_ =	swait.ge [sflag:s25], $0x2800  }
0x76: {  	[sflag:s25] =	ssyncset.done $0x0  }
0x77: {  	[sflag:s25] =	ssyncadd.s32 $0xFFFFD800  }
0x78: {  	[spmem:s1] =	stream.indirect.scatter.add.f32 [tilespmem:s22], [sflag:$0x3], $0x80, s0, s23, $0xb8;
	[tilespmem:$0x1DF00] =	vst v63  }
0x79: {  	s31 =	stileid.u32;
	_ =	swait.ge [sflag:s28], $0x2800  }
0x7a: {  	s21 =	sadd.s32 $0x1, s21;
	s2 =	sshll.u32 s31, $0x6;
	[sflag:s28] =	ssyncset.done $0x0  }
0x7b: {  	p0 =	sne.s32 s21, s17;
	s2 =	sor.u32 $0x1C05, s2;
	[sflag:s28] =	ssyncadd.s32 $0xFFFFD800  }
.Ltmp1:
0x7c: {  	s30 =	sshrl.u32 s6, $0x3;
	[bflag:$0x0] =	sbarrier.arrive $0xFFFF;
	(pc) =	sbr.rel @p0 .LBB2_1-.Ltmp1, $4  }
0x7d: {  	[hbm:s16], [sflag:s2] =	dma.local [spmem:s30], $0x2800  }
0x7e: {  	_ =	swait.ge [sflag:s20], $0x2800  }
0x7f: {  	[sflag:s20] =	ssyncset.done $0x0  }
0x80: {  	[sflag:s20] =	ssyncadd.s32 $0xFFFFD800  }
0x81: {  	_ =	sfence.sel $0x180000  }
0x82: {  	[bflag:$0x0] =	sbarrier.arrive $0xFFFF  }
0x83: {  	_ =	strace $0x9000004A  }
0x84: {  	s0 =	stileid.u32;
	[bflag:$0x2] =	sbarrier.arrive $0xFFFF  }
0x85: {  	p0 =	sne.s32 s0, $0x0;
	s0 =	rddreg [dreg:$0x3]  }
0x86: {  	s0 =	sadd.s32 @!p0 $0x100000, s0  }
0x87: {  	[sflag:s0] =	ssyncadd.tile.s32 @!p0 $0x1;
	_ =	shalt  }
.Lfunc_end2:
_tile_overlayer_lowered:
.L_overlay_start_2:
0x88: {  	(tag) =	ssettag $0x2  }
0x89: {  	s0 =	rddreg [dreg:$0x0];
	s2 =	stileid.u32  }
0x8a: {  	s1 =	rddreg [dreg:$0x1];
	p0 =	sne.s32 s2, $0x0  }
0x8b: {  	s3 =	rddreg [dreg:$0x2];
	[bflag:$0x3] =	sbarrier.arrive $0xFFFF;
	s2 =	simm.s32 @!p0 $0x1C05  }
0x8c: {  	[timem:s3], [sflag:s2] =	dma.local @!p0 [hbm:s0], s1  }
0x8d: {  	s0 =	simm.s32 @!p0 $0x5  }
0x8e: {  	_ =	swait.ge @!p0 [sflag:s0], s1  }
0x8f: {  	s1 =	ssub.s32 @!p0 $0x0, s1;
	[sflag:s0] =	ssyncset.done @!p0 $0x0  }
0x90: {  	[sflag:s0] =	ssyncadd.s32 @!p0 s1  }
0x91: {  	[bflag:$0x3] =	sbarrier.arrive $0xFFFF  }
0x92: {  	_ =	shalt  }

</sc_bundles>
